<compile_context>
chip_gen: v7x
topology: tpu7x:2x2x1
jax: 0.10.2.dev20260603
libtpu: 0.0.44.dev20260713+nightly
codegen_flags: <defaults>
</compile_context>

<pallas_src>
import functools

import jax
import jax.numpy as jnp
from jax import lax
from jax.experimental import pallas as pl
from jax.experimental.pallas import tpu as pltpu
from jax.experimental.pallas import tpu_sc as plsc

NC = 2
NS = 16
NW = NC * NS
LANES = 16
LG = 8


def _make_sc_kernel(B, L, V, D):
    assert B == NW * 128 and L % LG == 0 and D == 64
    NP = L // 2
    mesh = plsc.VectorSubcoreMesh(core_axis_name="c", subcore_axis_name="s")

    @functools.partial(
        pl.kernel,
        out_type=jax.ShapeDtypeStruct((L, D, B), jnp.float32),
        mesh=mesh,
        scratch_types=[
            pltpu.VMEM((LG, 128), jnp.int32),
            pltpu.VMEM((128, 2 * D), jnp.float32),
            pltpu.VMEM((128, 2 * D), jnp.float32),
            pltpu.VMEM((D, 128), jnp.float32),
            pltpu.VMEM((D, 128), jnp.float32),
            pltpu.VMEM((L, D), jnp.float32),
            pltpu.VMEM((D * 129 + 16,), jnp.float32),
            pltpu.SemaphoreType.DMA,
            pltpu.SemaphoreType.DMA,
            pltpu.SemaphoreType.DMA,
            pltpu.SemaphoreType.DMA,
        ],
        compiler_params=pltpu.CompilerParams(
            use_tc_tiling_on_sc=True, needs_layout_passes=False
        ),
    )
    def k(xt_hbm, tok_hbm, pos_hbm, out_hbm,
          idx_v, tok_a, tok_b, out_a, out_b, pos_v, skew_v,
          gsem_a, gsem_b, ssem_a, ssem_b):
        cid = lax.axis_index("c")
        sid = lax.axis_index("s")
        wid = sid * NC + cid
        b0 = pl.multiple_of(wid * 128, 128)
        pltpu.sync_copy(pos_hbm, pos_v)
        rvecs = [lax.iota(jnp.int32, 16) + bg * 16 for bg in range(8)]

        def load_idx_block(l):
            pltpu.sync_copy(
                xt_hbm.at[pl.ds(pl.multiple_of(l, LG), LG), pl.ds(b0, 128)],
                idx_v,
            )

        def issue_gather(lr, tok, gsem):
            pltpu.async_copy(tok_hbm.at[idx_v.at[lr]], tok, gsem)

        def wait_gather(lr, tok, gsem):
            pltpu.make_async_copy(tok_hbm.at[idx_v.at[lr]], tok, gsem).wait()

        iota = lax.iota(jnp.int32, 16)
        iota129dg = [iota * 129 + dg * 16 * 129 for dg in range(4)]

        def transpose_add(l, tok, out):
            lvec = jnp.full((16,), l, jnp.int32)

            def p1_body(r4, c2):
                r0 = 4 * r4
                vals, addrs = [], []
                for u in range(4):
                    rs = jnp.full((16,), r0 + u, jnp.int32)
                    for dg in range(4):
                        vals.append(tok[r0 + u, pl.ds(dg * 16, 16)])
                        addrs.append(iota129dg[dg] + rs)
                for i in range(16):
                    plsc.store_scatter(skew_v, [addrs[i]], vals[i])
                return c2

            lax.fori_loop(0, 32, p1_body, 0)

            def p2_body(d2, c2):
                d0 = 2 * d2
                vals, spl = [], []
                for u in range(2):
                    d = d0 + u
                    dbase = jnp.full((16,), d * 129, jnp.int32)
                    dvec = jnp.full((16,), d, jnp.int32)
                    spl.append(plsc.load_gather(pos_v, [lvec, dvec]))
                    for bg in range(8):
                        vals.append(
                            plsc.load_gather(skew_v, [dbase + rvecs[bg]])
                        )
                for u in range(2):
                    for bg in range(8):
                        out[d0 + u, pl.ds(bg * LANES, LANES)] = (
                            vals[u * 8 + bg] + spl[u]
                        )
                return c2

            lax.fori_loop(0, D // 2, p2_body, 0)

        def issue_store(l, out, ssem):
            pltpu.async_copy(out, out_hbm.at[l, :, pl.ds(b0, 128)], ssem)

        def wait_store(l, out, ssem):
            pltpu.make_async_copy(
                out, out_hbm.at[l, :, pl.ds(b0, 128)], ssem
            ).wait()

        load_idx_block(0)
        issue_gather(0, tok_a, gsem_a)
        issue_gather(1, tok_b, gsem_b)

        def pair_body(q, carry):
            l0 = 2 * q
            lr0 = lax.rem(l0, LG)

            wait_gather(lr0, tok_a, gsem_a)

            @pl.when(q > 0)
            def _():
                wait_store(l0, out_a, ssem_a)

            transpose_add(l0, tok_a, out_a)
            issue_store(l0, out_a, ssem_a)

            wait_gather(lr0 + 1, tok_b, gsem_b)

            @pl.when(jnp.logical_and(lax.rem(l0 + 2, LG) == 0, q < NP - 1))
            def _():
                load_idx_block(l0 + 2)

            @pl.when(q < NP - 1)
            def _():
                issue_gather(lax.rem(l0 + 2, LG), tok_a, gsem_a)

            @pl.when(q > 0)
            def _():
                wait_store(l0 + 1, out_b, ssem_b)

            transpose_add(l0 + 1, tok_b, out_b)
            issue_store(l0 + 1, out_b, ssem_b)

            @pl.when(q < NP - 1)
            def _():
                issue_gather(lax.rem(l0 + 3, LG), tok_b, gsem_b)

            return carry

        lax.fori_loop(0, NP, pair_body, 0)
        wait_store(L - 2, out_a, ssem_a)
        wait_store(L - 1, out_b, ssem_b)

    return k


def kernel(x, token_table, pos_table):
    B, L = x.shape
    V, D = token_table.shape
    k = _make_sc_kernel(B, L, V, D)
    xt = x.T.astype(jnp.int32)
    table_pad = jnp.pad(token_table, ((0, 0), (0, D)))
    out = k(xt, table_pad, pos_table)
    return out.transpose(2, 0, 1)

# --- scband reference (transcript-rebuilt; emitter-appended) ---
"""Pipeline reference for scband-token-and-position-embedding-59210419142981 (READ-ONLY COPY).

The authoritative reference and input builder live on the scoring server;
editing this copy changes nothing except your own understanding.
"""

import jax, jax.numpy as jnp
import numpy as np

VOCAB = 100000
POS = 200
DIM = 64
B = 4096
L = 200


def setup_inputs(seed: int = 0) -> dict:
    key = jax.random.key(seed)
    k1, k2, k3 = jax.random.split(key, 3)
    x = jax.random.randint(k1, (B, L), 0, VOCAB, dtype=jnp.int64 if jax.config.jax_enable_x64 else jnp.int32)
    token_table = jax.random.normal(k2, (VOCAB, DIM), dtype=jnp.float32) * 0.05
    pos_table = jax.random.normal(k3, (POS, DIM), dtype=jnp.float32) * 0.05
    return {"x": x, "token_table": token_table, "pos_table": pos_table}


def reference(x, token_table, pos_table):
    max_len = x.shape[-1]
    positions = jnp.arange(0, max_len)
    pos_emb = jnp.take(pos_table, positions, axis=0)  # [L, DIM]
    tok_emb = jnp.take(token_table, x, axis=0)        # [B, L, DIM]
    return tok_emb + pos_emb

if __name__ == "__main__":
    import jax
    _d = setup_inputs()
    print(jax.jit(kernel)(*tuple(_d.values())))

</pallas_src>

<mosaic_0001>
#map = affine_map<(d0, d1) -> (0, 0)>
#map1 = affine_map<(d0, d1) -> (0, 0, 0)>
module attributes {stable_mosaic.version = 14 : i64} {
  func.func @k(%arg0: i32, %arg1: i32, %arg2: memref<200x4096xi32, #tpu.memory_space<hbm>>, %arg3: memref<100000x128xf32, #tpu.memory_space<hbm>>, %arg4: memref<200x64xf32, #tpu.memory_space<hbm>>, %arg5: memref<200x64x4096xf32, #tpu.memory_space<hbm>>, %arg6: memref<8x128xi32, #tpu.memory_space<vmem>>, %arg7: memref<128x128xf32, #tpu.memory_space<vmem>>, %arg8: memref<128x128xf32, #tpu.memory_space<vmem>>, %arg9: memref<64x128xf32, #tpu.memory_space<vmem>>, %arg10: memref<64x128xf32, #tpu.memory_space<vmem>>, %arg11: memref<200x64xf32, #tpu.memory_space<vmem>>, %arg12: memref<8272xf32, #tpu.memory_space<vmem>>, %arg13: memref<!tpu.dma_semaphore, #tpu.memory_space<semaphore_mem>>, %arg14: memref<!tpu.dma_semaphore, #tpu.memory_space<semaphore_mem>>, %arg15: memref<!tpu.dma_semaphore, #tpu.memory_space<semaphore_mem>>, %arg16: memref<!tpu.dma_semaphore, #tpu.memory_space<semaphore_mem>>) attributes {dimension_semantics = [#tpu.dimension_semantics<core_parallel>, #tpu.dimension_semantics<subcore_parallel>], iteration_bounds = array<i64: 2, 16>, scalar_prefetch = 0 : i64, scratch_operands = 11 : i64, tpu.core_type = #tpu.core_type<sc_vector_subcore>, window_params = [{transform_indices = #map}, {transform_indices = #map}, {transform_indices = #map}, {transform_indices = #map1}]} {
    %mul3A = arith.constant 2 : i32
    %mul3A_0 = arith.muli %arg1, %mul3A : i32
    %add3A = arith.addi %mul3A_0, %arg0 : i32
    %mul3A_1 = arith.constant 128 : i32
    %mul3A_2 = arith.muli %add3A, %mul3A_1 : i32
    %multiple_of3A = tpu.assume_multiple %mul3A_2, 128 : i32
    "tpu.region"() ({
      %run_scoped3A = tpu.sem_alloc : memref<!tpu.dma_semaphore, #tpu.memory_space<semaphore_mem>>
      tpu.enqueue_dma source(%arg4 : memref<200x64xf32, #tpu.memory_space<hbm>>) target(%arg11 : memref<200x64xf32, #tpu.memory_space<vmem>>) target_semaphore(%run_scoped3A : memref<!tpu.dma_semaphore, #tpu.memory_space<semaphore_mem>>)
      tpu.wait_dma2 semaphore(%run_scoped3A : memref<!tpu.dma_semaphore, #tpu.memory_space<semaphore_mem>>) src(%arg4 : memref<200x64xf32, #tpu.memory_space<hbm>>) dst(%arg11 : memref<200x64xf32, #tpu.memory_space<vmem>>)
      tpu.yield
    }) : () -> ()
    %iota3A = tpu.iota {dimensions = array<i32: 0>} : vector<16xi32>
    %add3A_3 = arith.constant 0 : i32
    %add3A_4 = vector.broadcast %add3A_3 : i32 to vector<16xi32>
    %add3A_5 = arith.addi %iota3A, %add3A_4 : vector<16xi32>
    %iota3A_6 = tpu.iota {dimensions = array<i32: 0>} : vector<16xi32>
    %add3A_7 = arith.constant 16 : i32
    %add3A_8 = vector.broadcast %add3A_7 : i32 to vector<16xi32>
    %add3A_9 = arith.addi %iota3A_6, %add3A_8 : vector<16xi32>
    %iota3A_10 = tpu.iota {dimensions = array<i32: 0>} : vector<16xi32>
    %add3A_11 = arith.constant 32 : i32
    %add3A_12 = vector.broadcast %add3A_11 : i32 to vector<16xi32>
    %add3A_13 = arith.addi %iota3A_10, %add3A_12 : vector<16xi32>
    %iota3A_14 = tpu.iota {dimensions = array<i32: 0>} : vector<16xi32>
    %add3A_15 = arith.constant 48 : i32
    %add3A_16 = vector.broadcast %add3A_15 : i32 to vector<16xi32>
    %add3A_17 = arith.addi %iota3A_14, %add3A_16 : vector<16xi32>
    %iota3A_18 = tpu.iota {dimensions = array<i32: 0>} : vector<16xi32>
    %add3A_19 = arith.constant 64 : i32
    %add3A_20 = vector.broadcast %add3A_19 : i32 to vector<16xi32>
    %add3A_21 = arith.addi %iota3A_18, %add3A_20 : vector<16xi32>
    %iota3A_22 = tpu.iota {dimensions = array<i32: 0>} : vector<16xi32>
    %add3A_23 = arith.constant 80 : i32
    %add3A_24 = vector.broadcast %add3A_23 : i32 to vector<16xi32>
    %add3A_25 = arith.addi %iota3A_22, %add3A_24 : vector<16xi32>
    %iota3A_26 = tpu.iota {dimensions = array<i32: 0>} : vector<16xi32>
    %add3A_27 = arith.constant 96 : i32
    %add3A_28 = vector.broadcast %add3A_27 : i32 to vector<16xi32>
    %add3A_29 = arith.addi %iota3A_26, %add3A_28 : vector<16xi32>
    %iota3A_30 = tpu.iota {dimensions = array<i32: 0>} : vector<16xi32>
    %add3A_31 = arith.constant 112 : i32
    %add3A_32 = vector.broadcast %add3A_31 : i32 to vector<16xi32>
    %add3A_33 = arith.addi %iota3A_30, %add3A_32 : vector<16xi32>
    %iota3A_34 = tpu.iota {dimensions = array<i32: 0>} : vector<16xi32>
    %mul3A_35 = arith.constant 129 : i32
    %mul3A_36 = vector.broadcast %mul3A_35 : i32 to vector<16xi32>
    %mul3A_37 = arith.muli %iota3A_34, %mul3A_36 : vector<16xi32>
    %add3A_38 = arith.constant 0 : i32
    %add3A_39 = vector.broadcast %add3A_38 : i32 to vector<16xi32>
    %add3A_40 = arith.addi %mul3A_37, %add3A_39 : vector<16xi32>
    %mul3A_41 = arith.constant 129 : i32
    %mul3A_42 = vector.broadcast %mul3A_41 : i32 to vector<16xi32>
    %mul3A_43 = arith.muli %iota3A_34, %mul3A_42 : vector<16xi32>
    %add3A_44 = arith.constant 2064 : i32
    %add3A_45 = vector.broadcast %add3A_44 : i32 to vector<16xi32>
    %add3A_46 = arith.addi %mul3A_43, %add3A_45 : vector<16xi32>
    %mul3A_47 = arith.constant 129 : i32
    %mul3A_48 = vector.broadcast %mul3A_47 : i32 to vector<16xi32>
    %mul3A_49 = arith.muli %iota3A_34, %mul3A_48 : vector<16xi32>
    %add3A_50 = arith.constant 4128 : i32
    %add3A_51 = vector.broadcast %add3A_50 : i32 to vector<16xi32>
    %add3A_52 = arith.addi %mul3A_49, %add3A_51 : vector<16xi32>
    %mul3A_53 = arith.constant 129 : i32
    %mul3A_54 = vector.broadcast %mul3A_53 : i32 to vector<16xi32>
    %mul3A_55 = arith.muli %iota3A_34, %mul3A_54 : vector<16xi32>
    %add3A_56 = arith.constant 6192 : i32
    %add3A_57 = vector.broadcast %add3A_56 : i32 to vector<16xi32>
    %add3A_58 = arith.addi %mul3A_55, %add3A_57 : vector<16xi32>
    %multiple_of3A_59 = arith.constant 0 : i32
    %multiple_of3A_60 = tpu.assume_multiple %multiple_of3A_59, 8 : i32
    "tpu.region"() ({
      %run_scoped3A = tpu.sem_alloc : memref<!tpu.dma_semaphore, #tpu.memory_space<semaphore_mem>>
      %dma_start3A_92 = tpu.memref_slice %arg2[%multiple_of3A_60, %multiple_of3A] : memref<200x4096xi32, #tpu.memory_space<hbm>> -> memref<8x128xi32, #tpu.memory_space<hbm>>
      %dma_start3A_93 = tpu.memref_slice %arg2[%multiple_of3A_60, %multiple_of3A] : memref<200x4096xi32, #tpu.memory_space<hbm>> -> memref<8x128xi32, #tpu.memory_space<hbm>>
      tpu.enqueue_dma source(%dma_start3A_93 : memref<8x128xi32, #tpu.memory_space<hbm>>) target(%arg6 : memref<8x128xi32, #tpu.memory_space<vmem>>) target_semaphore(%run_scoped3A : memref<!tpu.dma_semaphore, #tpu.memory_space<semaphore_mem>>)
      %dma_wait3A_94 = tpu.memref_slice %arg2[%multiple_of3A_60, %multiple_of3A] : memref<200x4096xi32, #tpu.memory_space<hbm>> -> memref<8x128xi32, #tpu.memory_space<hbm>>
      %dma_wait3A_95 = tpu.memref_slice %arg2[%multiple_of3A_60, %multiple_of3A] : memref<200x4096xi32, #tpu.memory_space<hbm>> -> memref<8x128xi32, #tpu.memory_space<hbm>>
      tpu.wait_dma2 semaphore(%run_scoped3A : memref<!tpu.dma_semaphore, #tpu.memory_space<semaphore_mem>>) src(%dma_wait3A_95 : memref<8x128xi32, #tpu.memory_space<hbm>>) dst(%arg6 : memref<8x128xi32, #tpu.memory_space<vmem>>)
      tpu.yield
    }) : () -> ()
    %dma_start3A = arith.constant 0 : i32
    %dma_start3A_61 = arith.constant 0 : i32
    %dma_start3A_62 = tpu.memref_slice %arg6[%dma_start3A, %dma_start3A_61] : memref<8x128xi32, #tpu.memory_space<vmem>> -> memref<1x128xi32, #tpu.memory_space<vmem>>
    %dma_start3A_63 = tpu.memref_squeeze %dma_start3A_62 : memref<1x128xi32, #tpu.memory_space<vmem>> -> memref<128xi32, #tpu.memory_space<vmem>>
    %dma_start3A_64 = arith.constant 0 : i32
    %dma_start3A_65 = arith.constant 0 : i32
    %dma_start3A_66 = tpu.memref_slice %arg3[%dma_start3A_64, %dma_start3A_65] : memref<100000x128xf32, #tpu.memory_space<hbm>> -> memref<100000x128xf32, #tpu.memory_space<hbm>>
    tpu.enqueue_indirect_dma source(%dma_start3A_66 : memref<100000x128xf32, #tpu.memory_space<hbm>>) target(%arg7 : memref<128x128xf32, #tpu.memory_space<vmem>>) offsets(%dma_start3A_63 : memref<128xi32, #tpu.memory_space<vmem>>) semaphore(%arg13 : memref<!tpu.dma_semaphore, #tpu.memory_space<semaphore_mem>>)
    %dma_start3A_67 = arith.constant 1 : i32
    %dma_start3A_68 = arith.constant 0 : i32
    %dma_start3A_69 = tpu.memref_slice %arg6[%dma_start3A_67, %dma_start3A_68] : memref<8x128xi32, #tpu.memory_space<vmem>> -> memref<1x128xi32, #tpu.memory_space<vmem>>
    %dma_start3A_70 = tpu.memref_squeeze %dma_start3A_69 : memref<1x128xi32, #tpu.memory_space<vmem>> -> memref<128xi32, #tpu.memory_space<vmem>>
    %dma_start3A_71 = arith.constant 0 : i32
    %dma_start3A_72 = arith.constant 0 : i32
    %dma_start3A_73 = tpu.memref_slice %arg3[%dma_start3A_71, %dma_start3A_72] : memref<100000x128xf32, #tpu.memory_space<hbm>> -> memref<100000x128xf32, #tpu.memory_space<hbm>>
    tpu.enqueue_indirect_dma source(%dma_start3A_73 : memref<100000x128xf32, #tpu.memory_space<hbm>>) target(%arg8 : memref<128x128xf32, #tpu.memory_space<vmem>>) offsets(%dma_start3A_70 : memref<128xi32, #tpu.memory_space<vmem>>) semaphore(%arg14 : memref<!tpu.dma_semaphore, #tpu.memory_space<semaphore_mem>>)
    %scan3A = arith.constant 0 : i32
    %scan3A_74 = arith.constant 0 : i32
    %scan3A_75 = arith.constant 100 : i32
    %scan3A_76 = arith.addi %scan3A_74, %scan3A_75 : i32
    %scan3A_77 = arith.constant 1 : i32
    scf.for %scan3A_92 = %scan3A_74 to %scan3A_76 step %scan3A_77  : i32 {
      %mul3A_93 = arith.constant 2 : i32
      %mul3A_94 = arith.muli %mul3A_93, %scan3A_92 : i32
      %rem3A = arith.constant 8 : i32
      %rem3A_95 = arith.remsi %mul3A_94, %rem3A : i32
      %dma_wait3A_96 = arith.constant 0 : i32
      %dma_wait3A_97 = tpu.memref_slice %arg6[%rem3A_95, %dma_wait3A_96] : memref<8x128xi32, #tpu.memory_space<vmem>> -> memref<1x128xi32, #tpu.memory_space<vmem>>
      %dma_wait3A_98 = tpu.memref_squeeze %dma_wait3A_97 : memref<1x128xi32, #tpu.memory_space<vmem>> -> memref<128xi32, #tpu.memory_space<vmem>>
      %dma_wait3A_99 = arith.constant 0 : i32
      %dma_wait3A_100 = arith.constant 0 : i32
      %dma_wait3A_101 = tpu.memref_slice %arg3[%dma_wait3A_99, %dma_wait3A_100] : memref<100000x128xf32, #tpu.memory_space<hbm>> -> memref<100000x128xf32, #tpu.memory_space<hbm>>
      tpu.wait_indirect_dma semaphore(%arg13 : memref<!tpu.dma_semaphore, #tpu.memory_space<semaphore_mem>>) src(%dma_wait3A_101 : memref<100000x128xf32, #tpu.memory_space<hbm>>) dst(%arg7 : memref<128x128xf32, #tpu.memory_space<vmem>>)
      %gt3A = arith.constant 0 : i32
      %gt3A_102 = arith.cmpi sgt, %scan3A_92, %gt3A : i32
      %convert_element_type3A = arith.extui %gt3A_102 : i1 to i32
      %cond3A = arith.constant 0 : i32
      %cond3A_103 = arith.cmpi ne, %convert_element_type3A, %cond3A : i32
      scf.if %cond3A_103 {
        %dma_wait3A_177 = arith.constant 0 : i32
        %dma_wait3A_178 = tpu.memref_slice %arg5[%mul3A_94, %dma_wait3A_177, %multiple_of3A] : memref<200x64x4096xf32, #tpu.memory_space<hbm>> -> memref<1x64x128xf32, #tpu.memory_space<hbm>>
        %dma_wait3A_179 = tpu.memref_squeeze %dma_wait3A_178 : memref<1x64x128xf32, #tpu.memory_space<hbm>> -> memref<64x128xf32, #tpu.memory_space<hbm>>
        %dma_wait3A_180 = arith.constant 0 : i32
        %dma_wait3A_181 = tpu.memref_slice %arg5[%mul3A_94, %dma_wait3A_180, %multiple_of3A] : memref<200x64x4096xf32, #tpu.memory_space<hbm>> -> memref<1x64x128xf32, #tpu.memory_space<hbm>>
        %dma_wait3A_182 = tpu.memref_squeeze %dma_wait3A_181 : memref<1x64x128xf32, #tpu.memory_space<hbm>> -> memref<64x128xf32, #tpu.memory_space<hbm>>
        tpu.wait_dma2 semaphore(%arg15 : memref<!tpu.dma_semaphore, #tpu.memory_space<semaphore_mem>>) src(%arg9 : memref<64x128xf32, #tpu.memory_space<vmem>>) dst(%dma_wait3A_182 : memref<64x128xf32, #tpu.memory_space<hbm>>)
      } else {
      }
      %broadcast_in_dim3A = vector.broadcast %mul3A_94 : i32 to vector<16xi32>
      %scan3A_104 = arith.constant 0 : i32
      %scan3A_105 = arith.constant 0 : i32
      %scan3A_106 = arith.constant 32 : i32
      %scan3A_107 = arith.addi %scan3A_105, %scan3A_106 : i32
      %scan3A_108 = arith.constant 1 : i32
      scf.for %scan3A_177 = %scan3A_105 to %scan3A_107 step %scan3A_108  : i32 {
        %mul3A_178 = arith.constant 4 : i32
        %mul3A_179 = arith.muli %mul3A_178, %scan3A_177 : i32
        %add3A_180 = arith.constant 0 : i32
        %add3A_181 = arith.addi %mul3A_179, %add3A_180 : i32
        %broadcast_in_dim3A_182 = vector.broadcast %add3A_181 : i32 to vector<16xi32>
        %add3A_183 = arith.constant 0 : i32
        %add3A_184 = arith.addi %mul3A_179, %add3A_183 : i32
        %get3A = arith.index_cast %add3A_184 : i32 to index
        %get3A_185 = arith.constant 0 : index
        %get3A_186 = tpu.vector_load %arg7[%get3A, %get3A_185] {strides = array<i32>} : memref<128x128xf32, #tpu.memory_space<vmem>>, vector<16xf32>,
        %add3A_187 = arith.addi %add3A_40, %broadcast_in_dim3A_182 : vector<16xi32>
        %add3A_188 = arith.constant 0 : i32
        %add3A_189 = arith.addi %mul3A_179, %add3A_188 : i32
        %get3A_190 = arith.index_cast %add3A_189 : i32 to index
        %get3A_191 = arith.constant 16 : index
        %get3A_192 = tpu.vector_load %arg7[%get3A_190, %get3A_191] {strides = array<i32>} : memref<128x128xf32, #tpu.memory_space<vmem>>, vector<16xf32>,
        %add3A_193 = arith.addi %add3A_46, %broadcast_in_dim3A_182 : vector<16xi32>
        %add3A_194 = arith.constant 0 : i32
        %add3A_195 = arith.addi %mul3A_179, %add3A_194 : i32
        %get3A_196 = arith.index_cast %add3A_195 : i32 to index
        %get3A_197 = arith.constant 32 : index
        %get3A_198 = tpu.vector_load %arg7[%get3A_196, %get3A_197] {strides = array<i32>} : memref<128x128xf32, #tpu.memory_space<vmem>>, vector<16xf32>,
        %add3A_199 = arith.addi %add3A_52, %broadcast_in_dim3A_182 : vector<16xi32>
        %add3A_200 = arith.constant 0 : i32
        %add3A_201 = arith.addi %mul3A_179, %add3A_200 : i32
        %get3A_202 = arith.index_cast %add3A_201 : i32 to index
        %get3A_203 = arith.constant 48 : index
        %get3A_204 = tpu.vector_load %arg7[%get3A_202, %get3A_203] {strides = array<i32>} : memref<128x128xf32, #tpu.memory_space<vmem>>, vector<16xf32>,
        %add3A_205 = arith.addi %add3A_58, %broadcast_in_dim3A_182 : vector<16xi32>
        %add3A_206 = arith.constant 1 : i32
        %add3A_207 = arith.addi %mul3A_179, %add3A_206 : i32
        %broadcast_in_dim3A_208 = vector.broadcast %add3A_207 : i32 to vector<16xi32>
        %add3A_209 = arith.constant 1 : i32
        %add3A_210 = arith.addi %mul3A_179, %add3A_209 : i32
        %get3A_211 = arith.index_cast %add3A_210 : i32 to index
        %get3A_212 = arith.constant 0 : index
        %get3A_213 = tpu.vector_load %arg7[%get3A_211, %get3A_212] {strides = array<i32>} : memref<128x128xf32, #tpu.memory_space<vmem>>, vector<16xf32>,
        %add3A_214 = arith.addi %add3A_40, %broadcast_in_dim3A_208 : vector<16xi32>
        %add3A_215 = arith.constant 1 : i32
        %add3A_216 = arith.addi %mul3A_179, %add3A_215 : i32
        %get3A_217 = arith.index_cast %add3A_216 : i32 to index
        %get3A_218 = arith.constant 16 : index
        %get3A_219 = tpu.vector_load %arg7[%get3A_217, %get3A_218] {strides = array<i32>} : memref<128x128xf32, #tpu.memory_space<vmem>>, vector<16xf32>,
        %add3A_220 = arith.addi %add3A_46, %broadcast_in_dim3A_208 : vector<16xi32>
        %add3A_221 = arith.constant 1 : i32
        %add3A_222 = arith.addi %mul3A_179, %add3A_221 : i32
        %get3A_223 = arith.index_cast %add3A_222 : i32 to index
        %get3A_224 = arith.constant 32 : index
        %get3A_225 = tpu.vector_load %arg7[%get3A_223, %get3A_224] {strides = array<i32>} : memref<128x128xf32, #tpu.memory_space<vmem>>, vector<16xf32>,
        %add3A_226 = arith.addi %add3A_52, %broadcast_in_dim3A_208 : vector<16xi32>
        %add3A_227 = arith.constant 1 : i32
        %add3A_228 = arith.addi %mul3A_179, %add3A_227 : i32
        %get3A_229 = arith.index_cast %add3A_228 : i32 to index
        %get3A_230 = arith.constant 48 : index
        %get3A_231 = tpu.vector_load %arg7[%get3A_229, %get3A_230] {strides = array<i32>} : memref<128x128xf32, #tpu.memory_space<vmem>>, vector<16xf32>,
        %add3A_232 = arith.addi %add3A_58, %broadcast_in_dim3A_208 : vector<16xi32>
        %add3A_233 = arith.constant 2 : i32
        %add3A_234 = arith.addi %mul3A_179, %add3A_233 : i32
        %broadcast_in_dim3A_235 = vector.broadcast %add3A_234 : i32 to vector<16xi32>
        %add3A_236 = arith.constant 2 : i32
        %add3A_237 = arith.addi %mul3A_179, %add3A_236 : i32
        %get3A_238 = arith.index_cast %add3A_237 : i32 to index
        %get3A_239 = arith.constant 0 : index
        %get3A_240 = tpu.vector_load %arg7[%get3A_238, %get3A_239] {strides = array<i32>} : memref<128x128xf32, #tpu.memory_space<vmem>>, vector<16xf32>,
        %add3A_241 = arith.addi %add3A_40, %broadcast_in_dim3A_235 : vector<16xi32>
        %add3A_242 = arith.constant 2 : i32
        %add3A_243 = arith.addi %mul3A_179, %add3A_242 : i32
        %get3A_244 = arith.index_cast %add3A_243 : i32 to index
        %get3A_245 = arith.constant 16 : index
        %get3A_246 = tpu.vector_load %arg7[%get3A_244, %get3A_245] {strides = array<i32>} : memref<128x128xf32, #tpu.memory_space<vmem>>, vector<16xf32>,
        %add3A_247 = arith.addi %add3A_46, %broadcast_in_dim3A_235 : vector<16xi32>
        %add3A_248 = arith.constant 2 : i32
        %add3A_249 = arith.addi %mul3A_179, %add3A_248 : i32
        %get3A_250 = arith.index_cast %add3A_249 : i32 to index
        %get3A_251 = arith.constant 32 : index
        %get3A_252 = tpu.vector_load %arg7[%get3A_250, %get3A_251] {strides = array<i32>} : memref<128x128xf32, #tpu.memory_space<vmem>>, vector<16xf32>,
        %add3A_253 = arith.addi %add3A_52, %broadcast_in_dim3A_235 : vector<16xi32>
        %add3A_254 = arith.constant 2 : i32
        %add3A_255 = arith.addi %mul3A_179, %add3A_254 : i32
        %get3A_256 = arith.index_cast %add3A_255 : i32 to index
        %get3A_257 = arith.constant 48 : index
        %get3A_258 = tpu.vector_load %arg7[%get3A_256, %get3A_257] {strides = array<i32>} : memref<128x128xf32, #tpu.memory_space<vmem>>, vector<16xf32>,
        %add3A_259 = arith.addi %add3A_58, %broadcast_in_dim3A_235 : vector<16xi32>
        %add3A_260 = arith.constant 3 : i32
        %add3A_261 = arith.addi %mul3A_179, %add3A_260 : i32
        %broadcast_in_dim3A_262 = vector.broadcast %add3A_261 : i32 to vector<16xi32>
        %add3A_263 = arith.constant 3 : i32
        %add3A_264 = arith.addi %mul3A_179, %add3A_263 : i32
        %get3A_265 = arith.index_cast %add3A_264 : i32 to index
        %get3A_266 = arith.constant 0 : index
        %get3A_267 = tpu.vector_load %arg7[%get3A_265, %get3A_266] {strides = array<i32>} : memref<128x128xf32, #tpu.memory_space<vmem>>, vector<16xf32>,
        %add3A_268 = arith.addi %add3A_40, %broadcast_in_dim3A_262 : vector<16xi32>
        %add3A_269 = arith.constant 3 : i32
        %add3A_270 = arith.addi %mul3A_179, %add3A_269 : i32
        %get3A_271 = arith.index_cast %add3A_270 : i32 to index
        %get3A_272 = arith.constant 16 : index
        %get3A_273 = tpu.vector_load %arg7[%get3A_271, %get3A_272] {strides = array<i32>} : memref<128x128xf32, #tpu.memory_space<vmem>>, vector<16xf32>,
        %add3A_274 = arith.addi %add3A_46, %broadcast_in_dim3A_262 : vector<16xi32>
        %add3A_275 = arith.constant 3 : i32
        %add3A_276 = arith.addi %mul3A_179, %add3A_275 : i32
        %get3A_277 = arith.index_cast %add3A_276 : i32 to index
        %get3A_278 = arith.constant 32 : index
        %get3A_279 = tpu.vector_load %arg7[%get3A_277, %get3A_278] {strides = array<i32>} : memref<128x128xf32, #tpu.memory_space<vmem>>, vector<16xf32>,
        %add3A_280 = arith.addi %add3A_52, %broadcast_in_dim3A_262 : vector<16xi32>
        %add3A_281 = arith.constant 3 : i32
        %add3A_282 = arith.addi %mul3A_179, %add3A_281 : i32
        %get3A_283 = arith.index_cast %add3A_282 : i32 to index
        %get3A_284 = arith.constant 48 : index
        %get3A_285 = tpu.vector_load %arg7[%get3A_283, %get3A_284] {strides = array<i32>} : memref<128x128xf32, #tpu.memory_space<vmem>>, vector<16xf32>,
        %add3A_286 = arith.addi %add3A_58, %broadcast_in_dim3A_262 : vector<16xi32>
        tpu.vector_store_idx %arg12[%add3A_187], %get3A_186 : memref<8272xf32, #tpu.memory_space<vmem>>[vector<16xi32>], vector<16xf32>,
        tpu.vector_store_idx %arg12[%add3A_193], %get3A_192 : memref<8272xf32, #tpu.memory_space<vmem>>[vector<16xi32>], vector<16xf32>,
        tpu.vector_store_idx %arg12[%add3A_199], %get3A_198 : memref<8272xf32, #tpu.memory_space<vmem>>[vector<16xi32>], vector<16xf32>,
        tpu.vector_store_idx %arg12[%add3A_205], %get3A_204 : memref<8272xf32, #tpu.memory_space<vmem>>[vector<16xi32>], vector<16xf32>,
        tpu.vector_store_idx %arg12[%add3A_214], %get3A_213 : memref<8272xf32, #tpu.memory_space<vmem>>[vector<16xi32>], vector<16xf32>,
        tpu.vector_store_idx %arg12[%add3A_220], %get3A_219 : memref<8272xf32, #tpu.memory_space<vmem>>[vector<16xi32>], vector<16xf32>,
        tpu.vector_store_idx %arg12[%add3A_226], %get3A_225 : memref<8272xf32, #tpu.memory_space<vmem>>[vector<16xi32>], vector<16xf32>,
        tpu.vector_store_idx %arg12[%add3A_232], %get3A_231 : memref<8272xf32, #tpu.memory_space<vmem>>[vector<16xi32>], vector<16xf32>,
        tpu.vector_store_idx %arg12[%add3A_241], %get3A_240 : memref<8272xf32, #tpu.memory_space<vmem>>[vector<16xi32>], vector<16xf32>,
        tpu.vector_store_idx %arg12[%add3A_247], %get3A_246 : memref<8272xf32, #tpu.memory_space<vmem>>[vector<16xi32>], vector<16xf32>,
        tpu.vector_store_idx %arg12[%add3A_253], %get3A_252 : memref<8272xf32, #tpu.memory_space<vmem>>[vector<16xi32>], vector<16xf32>,
        tpu.vector_store_idx %arg12[%add3A_259], %get3A_258 : memref<8272xf32, #tpu.memory_space<vmem>>[vector<16xi32>], vector<16xf32>,
        tpu.vector_store_idx %arg12[%add3A_268], %get3A_267 : memref<8272xf32, #tpu.memory_space<vmem>>[vector<16xi32>], vector<16xf32>,
        tpu.vector_store_idx %arg12[%add3A_274], %get3A_273 : memref<8272xf32, #tpu.memory_space<vmem>>[vector<16xi32>], vector<16xf32>,
        tpu.vector_store_idx %arg12[%add3A_280], %get3A_279 : memref<8272xf32, #tpu.memory_space<vmem>>[vector<16xi32>], vector<16xf32>,
        tpu.vector_store_idx %arg12[%add3A_286], %get3A_285 : memref<8272xf32, #tpu.memory_space<vmem>>[vector<16xi32>], vector<16xf32>,
      }
      %scan3A_109 = arith.constant 32 : i32
      %scan3A_110 = arith.constant 0 : i32
      %scan3A_111 = arith.constant 0 : i32
      %scan3A_112 = arith.constant 32 : i32
      %scan3A_113 = arith.addi %scan3A_111, %scan3A_112 : i32
      %scan3A_114 = arith.constant 1 : i32
      scf.for %scan3A_177 = %scan3A_111 to %scan3A_113 step %scan3A_114  : i32 {
        %mul3A_178 = arith.constant 2 : i32
        %mul3A_179 = arith.muli %mul3A_178, %scan3A_177 : i32
        %add3A_180 = arith.constant 0 : i32
        %add3A_181 = arith.addi %mul3A_179, %add3A_180 : i32
        %mul3A_182 = arith.constant 129 : i32
        %mul3A_183 = arith.muli %add3A_181, %mul3A_182 : i32
        %broadcast_in_dim3A_184 = vector.broadcast %mul3A_183 : i32 to vector<16xi32>
        %broadcast_in_dim3A_185 = vector.broadcast %add3A_181 : i32 to vector<16xi32>
        %gather3A = tpu.vector_load_idx %arg11[%broadcast_in_dim3A, %broadcast_in_dim3A_185] : memref<200x64xf32, #tpu.memory_space<vmem>>[vector<16xi32>, vector<16xi32>], vector<16xf32>,
        %add3A_186 = arith.addi %broadcast_in_dim3A_184, %add3A_5 : vector<16xi32>
        %gather3A_187 = tpu.vector_load_idx %arg12[%add3A_186] : memref<8272xf32, #tpu.memory_space<vmem>>[vector<16xi32>], vector<16xf32>,
        %add3A_188 = arith.addi %broadcast_in_dim3A_184, %add3A_9 : vector<16xi32>
        %gather3A_189 = tpu.vector_load_idx %arg12[%add3A_188] : memref<8272xf32, #tpu.memory_space<vmem>>[vector<16xi32>], vector<16xf32>,
        %add3A_190 = arith.addi %broadcast_in_dim3A_184, %add3A_13 : vector<16xi32>
        %gather3A_191 = tpu.vector_load_idx %arg12[%add3A_190] : memref<8272xf32, #tpu.memory_space<vmem>>[vector<16xi32>], vector<16xf32>,
        %add3A_192 = arith.addi %broadcast_in_dim3A_184, %add3A_17 : vector<16xi32>
        %gather3A_193 = tpu.vector_load_idx %arg12[%add3A_192] : memref<8272xf32, #tpu.memory_space<vmem>>[vector<16xi32>], vector<16xf32>,
        %add3A_194 = arith.addi %broadcast_in_dim3A_184, %add3A_21 : vector<16xi32>
        %gather3A_195 = tpu.vector_load_idx %arg12[%add3A_194] : memref<8272xf32, #tpu.memory_space<vmem>>[vector<16xi32>], vector<16xf32>,
        %add3A_196 = arith.addi %broadcast_in_dim3A_184, %add3A_25 : vector<16xi32>
        %gather3A_197 = tpu.vector_load_idx %arg12[%add3A_196] : memref<8272xf32, #tpu.memory_space<vmem>>[vector<16xi32>], vector<16xf32>,
        %add3A_198 = arith.addi %broadcast_in_dim3A_184, %add3A_29 : vector<16xi32>
        %gather3A_199 = tpu.vector_load_idx %arg12[%add3A_198] : memref<8272xf32, #tpu.memory_space<vmem>>[vector<16xi32>], vector<16xf32>,
        %add3A_200 = arith.addi %broadcast_in_dim3A_184, %add3A_33 : vector<16xi32>
        %gather3A_201 = tpu.vector_load_idx %arg12[%add3A_200] : memref<8272xf32, #tpu.memory_space<vmem>>[vector<16xi32>], vector<16xf32>,
        %add3A_202 = arith.constant 1 : i32
        %add3A_203 = arith.addi %mul3A_179, %add3A_202 : i32
        %mul3A_204 = arith.constant 129 : i32
        %mul3A_205 = arith.muli %add3A_203, %mul3A_204 : i32
        %broadcast_in_dim3A_206 = vector.broadcast %mul3A_205 : i32 to vector<16xi32>
        %broadcast_in_dim3A_207 = vector.broadcast %add3A_203 : i32 to vector<16xi32>
        %gather3A_208 = tpu.vector_load_idx %arg11[%broadcast_in_dim3A, %broadcast_in_dim3A_207] : memref<200x64xf32, #tpu.memory_space<vmem>>[vector<16xi32>, vector<16xi32>], vector<16xf32>,
        %add3A_209 = arith.addi %broadcast_in_dim3A_206, %add3A_5 : vector<16xi32>
        %gather3A_210 = tpu.vector_load_idx %arg12[%add3A_209] : memref<8272xf32, #tpu.memory_space<vmem>>[vector<16xi32>], vector<16xf32>,
        %add3A_211 = arith.addi %broadcast_in_dim3A_206, %add3A_9 : vector<16xi32>
        %gather3A_212 = tpu.vector_load_idx %arg12[%add3A_211] : memref<8272xf32, #tpu.memory_space<vmem>>[vector<16xi32>], vector<16xf32>,
        %add3A_213 = arith.addi %broadcast_in_dim3A_206, %add3A_13 : vector<16xi32>
        %gather3A_214 = tpu.vector_load_idx %arg12[%add3A_213] : memref<8272xf32, #tpu.memory_space<vmem>>[vector<16xi32>], vector<16xf32>,
        %add3A_215 = arith.addi %broadcast_in_dim3A_206, %add3A_17 : vector<16xi32>
        %gather3A_216 = tpu.vector_load_idx %arg12[%add3A_215] : memref<8272xf32, #tpu.memory_space<vmem>>[vector<16xi32>], vector<16xf32>,
        %add3A_217 = arith.addi %broadcast_in_dim3A_206, %add3A_21 : vector<16xi32>
        %gather3A_218 = tpu.vector_load_idx %arg12[%add3A_217] : memref<8272xf32, #tpu.memory_space<vmem>>[vector<16xi32>], vector<16xf32>,
        %add3A_219 = arith.addi %broadcast_in_dim3A_206, %add3A_25 : vector<16xi32>
        %gather3A_220 = tpu.vector_load_idx %arg12[%add3A_219] : memref<8272xf32, #tpu.memory_space<vmem>>[vector<16xi32>], vector<16xf32>,
        %add3A_221 = arith.addi %broadcast_in_dim3A_206, %add3A_29 : vector<16xi32>
        %gather3A_222 = tpu.vector_load_idx %arg12[%add3A_221] : memref<8272xf32, #tpu.memory_space<vmem>>[vector<16xi32>], vector<16xf32>,
        %add3A_223 = arith.addi %broadcast_in_dim3A_206, %add3A_33 : vector<16xi32>
        %gather3A_224 = tpu.vector_load_idx %arg12[%add3A_223] : memref<8272xf32, #tpu.memory_space<vmem>>[vector<16xi32>], vector<16xf32>,
        %add3A_225 = arith.addf %gather3A_187, %gather3A : vector<16xf32>
        %add3A_226 = arith.constant 0 : i32
        %add3A_227 = arith.addi %mul3A_179, %add3A_226 : i32
        %swap3A = arith.index_cast %add3A_227 : i32 to index
        %swap3A_228 = arith.constant 0 : index
        %swap3A_229 = tpu.vector_load %arg9[%swap3A, %swap3A_228] {strides = array<i32>} : memref<64x128xf32, #tpu.memory_space<vmem>>, vector<16xf32>,
        tpu.vector_store %arg9[%swap3A, %swap3A_228], %add3A_225 {strides = array<i32>} : memref<64x128xf32, #tpu.memory_space<vmem>>, vector<16xf32>,
        %add3A_230 = arith.addf %gather3A_189, %gather3A : vector<16xf32>
        %add3A_231 = arith.constant 0 : i32
        %add3A_232 = arith.addi %mul3A_179, %add3A_231 : i32
        %swap3A_233 = arith.index_cast %add3A_232 : i32 to index
        %swap3A_234 = arith.constant 16 : index
        %swap3A_235 = tpu.vector_load %arg9[%swap3A_233, %swap3A_234] {strides = array<i32>} : memref<64x128xf32, #tpu.memory_space<vmem>>, vector<16xf32>,
        tpu.vector_store %arg9[%swap3A_233, %swap3A_234], %add3A_230 {strides = array<i32>} : memref<64x128xf32, #tpu.memory_space<vmem>>, vector<16xf32>,
        %add3A_236 = arith.addf %gather3A_191, %gather3A : vector<16xf32>
        %add3A_237 = arith.constant 0 : i32
        %add3A_238 = arith.addi %mul3A_179, %add3A_237 : i32
        %swap3A_239 = arith.index_cast %add3A_238 : i32 to index
        %swap3A_240 = arith.constant 32 : index
        %swap3A_241 = tpu.vector_load %arg9[%swap3A_239, %swap3A_240] {strides = array<i32>} : memref<64x128xf32, #tpu.memory_space<vmem>>, vector<16xf32>,
        tpu.vector_store %arg9[%swap3A_239, %swap3A_240], %add3A_236 {strides = array<i32>} : memref<64x128xf32, #tpu.memory_space<vmem>>, vector<16xf32>,
        %add3A_242 = arith.addf %gather3A_193, %gather3A : vector<16xf32>
        %add3A_243 = arith.constant 0 : i32
        %add3A_244 = arith.addi %mul3A_179, %add3A_243 : i32
        %swap3A_245 = arith.index_cast %add3A_244 : i32 to index
        %swap3A_246 = arith.constant 48 : index
        %swap3A_247 = tpu.vector_load %arg9[%swap3A_245, %swap3A_246] {strides = array<i32>} : memref<64x128xf32, #tpu.memory_space<vmem>>, vector<16xf32>,
        tpu.vector_store %arg9[%swap3A_245, %swap3A_246], %add3A_242 {strides = array<i32>} : memref<64x128xf32, #tpu.memory_space<vmem>>, vector<16xf32>,
        %add3A_248 = arith.addf %gather3A_195, %gather3A : vector<16xf32>
        %add3A_249 = arith.constant 0 : i32
        %add3A_250 = arith.addi %mul3A_179, %add3A_249 : i32
        %swap3A_251 = arith.index_cast %add3A_250 : i32 to index
        %swap3A_252 = arith.constant 64 : index
        %swap3A_253 = tpu.vector_load %arg9[%swap3A_251, %swap3A_252] {strides = array<i32>} : memref<64x128xf32, #tpu.memory_space<vmem>>, vector<16xf32>,
        tpu.vector_store %arg9[%swap3A_251, %swap3A_252], %add3A_248 {strides = array<i32>} : memref<64x128xf32, #tpu.memory_space<vmem>>, vector<16xf32>,
        %add3A_254 = arith.addf %gather3A_197, %gather3A : vector<16xf32>
        %add3A_255 = arith.constant 0 : i32
        %add3A_256 = arith.addi %mul3A_179, %add3A_255 : i32
        %swap3A_257 = arith.index_cast %add3A_256 : i32 to index
        %swap3A_258 = arith.constant 80 : index
        %swap3A_259 = tpu.vector_load %arg9[%swap3A_257, %swap3A_258] {strides = array<i32>} : memref<64x128xf32, #tpu.memory_space<vmem>>, vector<16xf32>,
        tpu.vector_store %arg9[%swap3A_257, %swap3A_258], %add3A_254 {strides = array<i32>} : memref<64x128xf32, #tpu.memory_space<vmem>>, vector<16xf32>,
        %add3A_260 = arith.addf %gather3A_199, %gather3A : vector<16xf32>
        %add3A_261 = arith.constant 0 : i32
        %add3A_262 = arith.addi %mul3A_179, %add3A_261 : i32
        %swap3A_263 = arith.index_cast %add3A_262 : i32 to index
        %swap3A_264 = arith.constant 96 : index
        %swap3A_265 = tpu.vector_load %arg9[%swap3A_263, %swap3A_264] {strides = array<i32>} : memref<64x128xf32, #tpu.memory_space<vmem>>, vector<16xf32>,
        tpu.vector_store %arg9[%swap3A_263, %swap3A_264], %add3A_260 {strides = array<i32>} : memref<64x128xf32, #tpu.memory_space<vmem>>, vector<16xf32>,
        %add3A_266 = arith.addf %gather3A_201, %gather3A : vector<16xf32>
        %add3A_267 = arith.constant 0 : i32
        %add3A_268 = arith.addi %mul3A_179, %add3A_267 : i32
        %swap3A_269 = arith.index_cast %add3A_268 : i32 to index
        %swap3A_270 = arith.constant 112 : index
        %swap3A_271 = tpu.vector_load %arg9[%swap3A_269, %swap3A_270] {strides = array<i32>} : memref<64x128xf32, #tpu.memory_space<vmem>>, vector<16xf32>,
        tpu.vector_store %arg9[%swap3A_269, %swap3A_270], %add3A_266 {strides = array<i32>} : memref<64x128xf32, #tpu.memory_space<vmem>>, vector<16xf32>,
        %add3A_272 = arith.addf %gather3A_210, %gather3A_208 : vector<16xf32>
        %add3A_273 = arith.constant 1 : i32
        %add3A_274 = arith.addi %mul3A_179, %add3A_273 : i32
        %swap3A_275 = arith.index_cast %add3A_274 : i32 to index
        %swap3A_276 = arith.constant 0 : index
        %swap3A_277 = tpu.vector_load %arg9[%swap3A_275, %swap3A_276] {strides = array<i32>} : memref<64x128xf32, #tpu.memory_space<vmem>>, vector<16xf32>,
        tpu.vector_store %arg9[%swap3A_275, %swap3A_276], %add3A_272 {strides = array<i32>} : memref<64x128xf32, #tpu.memory_space<vmem>>, vector<16xf32>,
        %add3A_278 = arith.addf %gather3A_212, %gather3A_208 : vector<16xf32>
        %add3A_279 = arith.constant 1 : i32
        %add3A_280 = arith.addi %mul3A_179, %add3A_279 : i32
        %swap3A_281 = arith.index_cast %add3A_280 : i32 to index
        %swap3A_282 = arith.constant 16 : index
        %swap3A_283 = tpu.vector_load %arg9[%swap3A_281, %swap3A_282] {strides = array<i32>} : memref<64x128xf32, #tpu.memory_space<vmem>>, vector<16xf32>,
        tpu.vector_store %arg9[%swap3A_281, %swap3A_282], %add3A_278 {strides = array<i32>} : memref<64x128xf32, #tpu.memory_space<vmem>>, vector<16xf32>,
        %add3A_284 = arith.addf %gather3A_214, %gather3A_208 : vector<16xf32>
        %add3A_285 = arith.constant 1 : i32
        %add3A_286 = arith.addi %mul3A_179, %add3A_285 : i32
        %swap3A_287 = arith.index_cast %add3A_286 : i32 to index
        %swap3A_288 = arith.constant 32 : index
        %swap3A_289 = tpu.vector_load %arg9[%swap3A_287, %swap3A_288] {strides = array<i32>} : memref<64x128xf32, #tpu.memory_space<vmem>>, vector<16xf32>,
        tpu.vector_store %arg9[%swap3A_287, %swap3A_288], %add3A_284 {strides = array<i32>} : memref<64x128xf32, #tpu.memory_space<vmem>>, vector<16xf32>,
        %add3A_290 = arith.addf %gather3A_216, %gather3A_208 : vector<16xf32>
        %add3A_291 = arith.constant 1 : i32
        %add3A_292 = arith.addi %mul3A_179, %add3A_291 : i32
        %swap3A_293 = arith.index_cast %add3A_292 : i32 to index
        %swap3A_294 = arith.constant 48 : index
        %swap3A_295 = tpu.vector_load %arg9[%swap3A_293, %swap3A_294] {strides = array<i32>} : memref<64x128xf32, #tpu.memory_space<vmem>>, vector<16xf32>,
        tpu.vector_store %arg9[%swap3A_293, %swap3A_294], %add3A_290 {strides = array<i32>} : memref<64x128xf32, #tpu.memory_space<vmem>>, vector<16xf32>,
        %add3A_296 = arith.addf %gather3A_218, %gather3A_208 : vector<16xf32>
        %add3A_297 = arith.constant 1 : i32
        %add3A_298 = arith.addi %mul3A_179, %add3A_297 : i32
        %swap3A_299 = arith.index_cast %add3A_298 : i32 to index
        %swap3A_300 = arith.constant 64 : index
        %swap3A_301 = tpu.vector_load %arg9[%swap3A_299, %swap3A_300] {strides = array<i32>} : memref<64x128xf32, #tpu.memory_space<vmem>>, vector<16xf32>,
        tpu.vector_store %arg9[%swap3A_299, %swap3A_300], %add3A_296 {strides = array<i32>} : memref<64x128xf32, #tpu.memory_space<vmem>>, vector<16xf32>,
        %add3A_302 = arith.addf %gather3A_220, %gather3A_208 : vector<16xf32>
        %add3A_303 = arith.constant 1 : i32
        %add3A_304 = arith.addi %mul3A_179, %add3A_303 : i32
        %swap3A_305 = arith.index_cast %add3A_304 : i32 to index
        %swap3A_306 = arith.constant 80 : index
        %swap3A_307 = tpu.vector_load %arg9[%swap3A_305, %swap3A_306] {strides = array<i32>} : memref<64x128xf32, #tpu.memory_space<vmem>>, vector<16xf32>,
        tpu.vector_store %arg9[%swap3A_305, %swap3A_306], %add3A_302 {strides = array<i32>} : memref<64x128xf32, #tpu.memory_space<vmem>>, vector<16xf32>,
        %add3A_308 = arith.addf %gather3A_222, %gather3A_208 : vector<16xf32>
        %add3A_309 = arith.constant 1 : i32
        %add3A_310 = arith.addi %mul3A_179, %add3A_309 : i32
        %swap3A_311 = arith.index_cast %add3A_310 : i32 to index
        %swap3A_312 = arith.constant 96 : index
        %swap3A_313 = tpu.vector_load %arg9[%swap3A_311, %swap3A_312] {strides = array<i32>} : memref<64x128xf32, #tpu.memory_space<vmem>>, vector<16xf32>,
        tpu.vector_store %arg9[%swap3A_311, %swap3A_312], %add3A_308 {strides = array<i32>} : memref<64x128xf32, #tpu.memory_space<vmem>>, vector<16xf32>,
        %add3A_314 = arith.addf %gather3A_224, %gather3A_208 : vector<16xf32>
        %add3A_315 = arith.constant 1 : i32
        %add3A_316 = arith.addi %mul3A_179, %add3A_315 : i32
        %swap3A_317 = arith.index_cast %add3A_316 : i32 to index
        %swap3A_318 = arith.constant 112 : index
        %swap3A_319 = tpu.vector_load %arg9[%swap3A_317, %swap3A_318] {strides = array<i32>} : memref<64x128xf32, #tpu.memory_space<vmem>>, vector<16xf32>,
        tpu.vector_store %arg9[%swap3A_317, %swap3A_318], %add3A_314 {strides = array<i32>} : memref<64x128xf32, #tpu.memory_space<vmem>>, vector<16xf32>,
      }
      %scan3A_115 = arith.constant 32 : i32
      %dma_start3A_116 = arith.constant 0 : i32
      %dma_start3A_117 = tpu.memref_slice %arg5[%mul3A_94, %dma_start3A_116, %multiple_of3A] : memref<200x64x4096xf32, #tpu.memory_space<hbm>> -> memref<1x64x128xf32, #tpu.memory_space<hbm>>
      %dma_start3A_118 = tpu.memref_squeeze %dma_start3A_117 : memref<1x64x128xf32, #tpu.memory_space<hbm>> -> memref<64x128xf32, #tpu.memory_space<hbm>>
      %dma_start3A_119 = arith.constant 0 : i32
      %dma_start3A_120 = tpu.memref_slice %arg5[%mul3A_94, %dma_start3A_119, %multiple_of3A] : memref<200x64x4096xf32, #tpu.memory_space<hbm>> -> memref<1x64x128xf32, #tpu.memory_space<hbm>>
      %dma_start3A_121 = tpu.memref_squeeze %dma_start3A_120 : memref<1x64x128xf32, #tpu.memory_space<hbm>> -> memref<64x128xf32, #tpu.memory_space<hbm>>
      tpu.enqueue_dma source(%arg9 : memref<64x128xf32, #tpu.memory_space<vmem>>) target(%dma_start3A_121 : memref<64x128xf32, #tpu.memory_space<hbm>>) target_semaphore(%arg15 : memref<!tpu.dma_semaphore, #tpu.memory_space<semaphore_mem>>)
      %add3A_122 = arith.constant 1 : i32
      %add3A_123 = arith.addi %rem3A_95, %add3A_122 : i32
      %dma_wait3A_124 = arith.constant 0 : i32
      %dma_wait3A_125 = tpu.memref_slice %arg6[%add3A_123, %dma_wait3A_124] : memref<8x128xi32, #tpu.memory_space<vmem>> -> memref<1x128xi32, #tpu.memory_space<vmem>>
      %dma_wait3A_126 = tpu.memref_squeeze %dma_wait3A_125 : memref<1x128xi32, #tpu.memory_space<vmem>> -> memref<128xi32, #tpu.memory_space<vmem>>
      %dma_wait3A_127 = arith.constant 0 : i32
      %dma_wait3A_128 = arith.constant 0 : i32
      %dma_wait3A_129 = tpu.memref_slice %arg3[%dma_wait3A_127, %dma_wait3A_128] : memref<100000x128xf32, #tpu.memory_space<hbm>> -> memref<100000x128xf32, #tpu.memory_space<hbm>>
      tpu.wait_indirect_dma semaphore(%arg14 : memref<!tpu.dma_semaphore, #tpu.memory_space<semaphore_mem>>) src(%dma_wait3A_129 : memref<100000x128xf32, #tpu.memory_space<hbm>>) dst(%arg8 : memref<128x128xf32, #tpu.memory_space<vmem>>)
      %add3A_130 = arith.constant 2 : i32
      %add3A_131 = arith.addi %mul3A_94, %add3A_130 : i32
      %rem3A_132 = arith.constant 8 : i32
      %rem3A_133 = arith.remsi %add3A_131, %rem3A_132 : i32
      %eq3A = arith.constant 0 : i32
      %eq3A_134 = arith.cmpi eq, %rem3A_133, %eq3A : i32
      %lt3A = arith.constant 99 : i32
      %lt3A_135 = arith.cmpi slt, %scan3A_92, %lt3A : i32
      %and3A = arith.andi %eq3A_134, %lt3A_135 : i1
      %convert_element_type3A_136 = arith.extui %and3A : i1 to i32
      %cond3A_137 = arith.constant 0 : i32
      %cond3A_138 = arith.cmpi ne, %convert_element_type3A_136, %cond3A_137 : i32
      scf.if %cond3A_138 {
        %add3A_177 = arith.constant 2 : i32
        %add3A_178 = arith.addi %mul3A_94, %add3A_177 : i32
        %multiple_of3A_179 = tpu.assume_multiple %add3A_178, 8 : i32
        "tpu.region"() ({
          %run_scoped3A = tpu.sem_alloc : memref<!tpu.dma_semaphore, #tpu.memory_space<semaphore_mem>>
          %dma_start3A_180 = tpu.memref_slice %arg2[%multiple_of3A_179, %multiple_of3A] : memref<200x4096xi32, #tpu.memory_space<hbm>> -> memref<8x128xi32, #tpu.memory_space<hbm>>
          %dma_start3A_181 = tpu.memref_slice %arg2[%multiple_of3A_179, %multiple_of3A] : memref<200x4096xi32, #tpu.memory_space<hbm>> -> memref<8x128xi32, #tpu.memory_space<hbm>>
          tpu.enqueue_dma source(%dma_start3A_181 : memref<8x128xi32, #tpu.memory_space<hbm>>) target(%arg6 : memref<8x128xi32, #tpu.memory_space<vmem>>) target_semaphore(%run_scoped3A : memref<!tpu.dma_semaphore, #tpu.memory_space<semaphore_mem>>)
          %dma_wait3A_182 = tpu.memref_slice %arg2[%multiple_of3A_179, %multiple_of3A] : memref<200x4096xi32, #tpu.memory_space<hbm>> -> memref<8x128xi32, #tpu.memory_space<hbm>>
          %dma_wait3A_183 = tpu.memref_slice %arg2[%multiple_of3A_179, %multiple_of3A] : memref<200x4096xi32, #tpu.memory_space<hbm>> -> memref<8x128xi32, #tpu.memory_space<hbm>>
          tpu.wait_dma2 semaphore(%run_scoped3A : memref<!tpu.dma_semaphore, #tpu.memory_space<semaphore_mem>>) src(%dma_wait3A_183 : memref<8x128xi32, #tpu.memory_space<hbm>>) dst(%arg6 : memref<8x128xi32, #tpu.memory_space<vmem>>)
          tpu.yield
        }) : () -> ()
      } else {
      }
      %lt3A_139 = arith.constant 99 : i32
      %lt3A_140 = arith.cmpi slt, %scan3A_92, %lt3A_139 : i32
      %convert_element_type3A_141 = arith.extui %lt3A_140 : i1 to i32
      %cond3A_142 = arith.constant 0 : i32
      %cond3A_143 = arith.cmpi ne, %convert_element_type3A_141, %cond3A_142 : i32
      scf.if %cond3A_143 {
        %add3A_177 = arith.constant 2 : i32
        %add3A_178 = arith.addi %mul3A_94, %add3A_177 : i32
        %rem3A_179 = arith.constant 8 : i32
        %rem3A_180 = arith.remsi %add3A_178, %rem3A_179 : i32
        %dma_start3A_181 = arith.constant 0 : i32
        %dma_start3A_182 = tpu.memref_slice %arg6[%rem3A_180, %dma_start3A_181] : memref<8x128xi32, #tpu.memory_space<vmem>> -> memref<1x128xi32, #tpu.memory_space<vmem>>
        %dma_start3A_183 = tpu.memref_squeeze %dma_start3A_182 : memref<1x128xi32, #tpu.memory_space<vmem>> -> memref<128xi32, #tpu.memory_space<vmem>>
        %dma_start3A_184 = arith.constant 0 : i32
        %dma_start3A_185 = arith.constant 0 : i32
        %dma_start3A_186 = tpu.memref_slice %arg3[%dma_start3A_184, %dma_start3A_185] : memref<100000x128xf32, #tpu.memory_space<hbm>> -> memref<100000x128xf32, #tpu.memory_space<hbm>>
        tpu.enqueue_indirect_dma source(%dma_start3A_186 : memref<100000x128xf32, #tpu.memory_space<hbm>>) target(%arg7 : memref<128x128xf32, #tpu.memory_space<vmem>>) offsets(%dma_start3A_183 : memref<128xi32, #tpu.memory_space<vmem>>) semaphore(%arg13 : memref<!tpu.dma_semaphore, #tpu.memory_space<semaphore_mem>>)
      } else {
      }
      %gt3A_144 = arith.constant 0 : i32
      %gt3A_145 = arith.cmpi sgt, %scan3A_92, %gt3A_144 : i32
      %convert_element_type3A_146 = arith.extui %gt3A_145 : i1 to i32
      %cond3A_147 = arith.constant 0 : i32
      %cond3A_148 = arith.cmpi ne, %convert_element_type3A_146, %cond3A_147 : i32
      scf.if %cond3A_148 {
        %add3A_177 = arith.constant 1 : i32
        %add3A_178 = arith.addi %mul3A_94, %add3A_177 : i32
        %dma_wait3A_179 = arith.constant 0 : i32
        %dma_wait3A_180 = tpu.memref_slice %arg5[%add3A_178, %dma_wait3A_179, %multiple_of3A] : memref<200x64x4096xf32, #tpu.memory_space<hbm>> -> memref<1x64x128xf32, #tpu.memory_space<hbm>>
        %dma_wait3A_181 = tpu.memref_squeeze %dma_wait3A_180 : memref<1x64x128xf32, #tpu.memory_space<hbm>> -> memref<64x128xf32, #tpu.memory_space<hbm>>
        %dma_wait3A_182 = arith.constant 0 : i32
        %dma_wait3A_183 = tpu.memref_slice %arg5[%add3A_178, %dma_wait3A_182, %multiple_of3A] : memref<200x64x4096xf32, #tpu.memory_space<hbm>> -> memref<1x64x128xf32, #tpu.memory_space<hbm>>
        %dma_wait3A_184 = tpu.memref_squeeze %dma_wait3A_183 : memref<1x64x128xf32, #tpu.memory_space<hbm>> -> memref<64x128xf32, #tpu.memory_space<hbm>>
        tpu.wait_dma2 semaphore(%arg16 : memref<!tpu.dma_semaphore, #tpu.memory_space<semaphore_mem>>) src(%arg10 : memref<64x128xf32, #tpu.memory_space<vmem>>) dst(%dma_wait3A_184 : memref<64x128xf32, #tpu.memory_space<hbm>>)
      } else {
      }
      %add3A_149 = arith.constant 1 : i32
      %add3A_150 = arith.addi %mul3A_94, %add3A_149 : i32
      %broadcast_in_dim3A_151 = vector.broadcast %add3A_150 : i32 to vector<16xi32>
      %scan3A_152 = arith.constant 0 : i32
      %scan3A_153 = arith.constant 0 : i32
      %scan3A_154 = arith.constant 32 : i32
      %scan3A_155 = arith.addi %scan3A_153, %scan3A_154 : i32
      %scan3A_156 = arith.constant 1 : i32
      scf.for %scan3A_177 = %scan3A_153 to %scan3A_155 step %scan3A_156  : i32 {
        %mul3A_178 = arith.constant 4 : i32
        %mul3A_179 = arith.muli %mul3A_178, %scan3A_177 : i32
        %add3A_180 = arith.constant 0 : i32
        %add3A_181 = arith.addi %mul3A_179, %add3A_180 : i32
        %broadcast_in_dim3A_182 = vector.broadcast %add3A_181 : i32 to vector<16xi32>
        %add3A_183 = arith.constant 0 : i32
        %add3A_184 = arith.addi %mul3A_179, %add3A_183 : i32
        %get3A = arith.index_cast %add3A_184 : i32 to index
        %get3A_185 = arith.constant 0 : index
        %get3A_186 = tpu.vector_load %arg8[%get3A, %get3A_185] {strides = array<i32>} : memref<128x128xf32, #tpu.memory_space<vmem>>, vector<16xf32>,
        %add3A_187 = arith.addi %add3A_40, %broadcast_in_dim3A_182 : vector<16xi32>
        %add3A_188 = arith.constant 0 : i32
        %add3A_189 = arith.addi %mul3A_179, %add3A_188 : i32
        %get3A_190 = arith.index_cast %add3A_189 : i32 to index
        %get3A_191 = arith.constant 16 : index
        %get3A_192 = tpu.vector_load %arg8[%get3A_190, %get3A_191] {strides = array<i32>} : memref<128x128xf32, #tpu.memory_space<vmem>>, vector<16xf32>,
        %add3A_193 = arith.addi %add3A_46, %broadcast_in_dim3A_182 : vector<16xi32>
        %add3A_194 = arith.constant 0 : i32
        %add3A_195 = arith.addi %mul3A_179, %add3A_194 : i32
        %get3A_196 = arith.index_cast %add3A_195 : i32 to index
        %get3A_197 = arith.constant 32 : index
        %get3A_198 = tpu.vector_load %arg8[%get3A_196, %get3A_197] {strides = array<i32>} : memref<128x128xf32, #tpu.memory_space<vmem>>, vector<16xf32>,
        %add3A_199 = arith.addi %add3A_52, %broadcast_in_dim3A_182 : vector<16xi32>
        %add3A_200 = arith.constant 0 : i32
        %add3A_201 = arith.addi %mul3A_179, %add3A_200 : i32
        %get3A_202 = arith.index_cast %add3A_201 : i32 to index
        %get3A_203 = arith.constant 48 : index
        %get3A_204 = tpu.vector_load %arg8[%get3A_202, %get3A_203] {strides = array<i32>} : memref<128x128xf32, #tpu.memory_space<vmem>>, vector<16xf32>,
        %add3A_205 = arith.addi %add3A_58, %broadcast_in_dim3A_182 : vector<16xi32>
        %add3A_206 = arith.constant 1 : i32
        %add3A_207 = arith.addi %mul3A_179, %add3A_206 : i32
        %broadcast_in_dim3A_208 = vector.broadcast %add3A_207 : i32 to vector<16xi32>
        %add3A_209 = arith.constant 1 : i32
        %add3A_210 = arith.addi %mul3A_179, %add3A_209 : i32
        %get3A_211 = arith.index_cast %add3A_210 : i32 to index
        %get3A_212 = arith.constant 0 : index
        %get3A_213 = tpu.vector_load %arg8[%get3A_211, %get3A_212] {strides = array<i32>} : memref<128x128xf32, #tpu.memory_space<vmem>>, vector<16xf32>,
        %add3A_214 = arith.addi %add3A_40, %broadcast_in_dim3A_208 : vector<16xi32>
        %add3A_215 = arith.constant 1 : i32
        %add3A_216 = arith.addi %mul3A_179, %add3A_215 : i32
        %get3A_217 = arith.index_cast %add3A_216 : i32 to index
        %get3A_218 = arith.constant 16 : index
        %get3A_219 = tpu.vector_load %arg8[%get3A_217, %get3A_218] {strides = array<i32>} : memref<128x128xf32, #tpu.memory_space<vmem>>, vector<16xf32>,
        %add3A_220 = arith.addi %add3A_46, %broadcast_in_dim3A_208 : vector<16xi32>
        %add3A_221 = arith.constant 1 : i32
        %add3A_222 = arith.addi %mul3A_179, %add3A_221 : i32
        %get3A_223 = arith.index_cast %add3A_222 : i32 to index
        %get3A_224 = arith.constant 32 : index
        %get3A_225 = tpu.vector_load %arg8[%get3A_223, %get3A_224] {strides = array<i32>} : memref<128x128xf32, #tpu.memory_space<vmem>>, vector<16xf32>,
        %add3A_226 = arith.addi %add3A_52, %broadcast_in_dim3A_208 : vector<16xi32>
        %add3A_227 = arith.constant 1 : i32
        %add3A_228 = arith.addi %mul3A_179, %add3A_227 : i32
        %get3A_229 = arith.index_cast %add3A_228 : i32 to index
        %get3A_230 = arith.constant 48 : index
        %get3A_231 = tpu.vector_load %arg8[%get3A_229, %get3A_230] {strides = array<i32>} : memref<128x128xf32, #tpu.memory_space<vmem>>, vector<16xf32>,
        %add3A_232 = arith.addi %add3A_58, %broadcast_in_dim3A_208 : vector<16xi32>
        %add3A_233 = arith.constant 2 : i32
        %add3A_234 = arith.addi %mul3A_179, %add3A_233 : i32
        %broadcast_in_dim3A_235 = vector.broadcast %add3A_234 : i32 to vector<16xi32>
        %add3A_236 = arith.constant 2 : i32
        %add3A_237 = arith.addi %mul3A_179, %add3A_236 : i32
        %get3A_238 = arith.index_cast %add3A_237 : i32 to index
        %get3A_239 = arith.constant 0 : index
        %get3A_240 = tpu.vector_load %arg8[%get3A_238, %get3A_239] {strides = array<i32>} : memref<128x128xf32, #tpu.memory_space<vmem>>, vector<16xf32>,
        %add3A_241 = arith.addi %add3A_40, %broadcast_in_dim3A_235 : vector<16xi32>
        %add3A_242 = arith.constant 2 : i32
        %add3A_243 = arith.addi %mul3A_179, %add3A_242 : i32
        %get3A_244 = arith.index_cast %add3A_243 : i32 to index
        %get3A_245 = arith.constant 16 : index
        %get3A_246 = tpu.vector_load %arg8[%get3A_244, %get3A_245] {strides = array<i32>} : memref<128x128xf32, #tpu.memory_space<vmem>>, vector<16xf32>,
        %add3A_247 = arith.addi %add3A_46, %broadcast_in_dim3A_235 : vector<16xi32>
        %add3A_248 = arith.constant 2 : i32
        %add3A_249 = arith.addi %mul3A_179, %add3A_248 : i32
        %get3A_250 = arith.index_cast %add3A_249 : i32 to index
        %get3A_251 = arith.constant 32 : index
        %get3A_252 = tpu.vector_load %arg8[%get3A_250, %get3A_251] {strides = array<i32>} : memref<128x128xf32, #tpu.memory_space<vmem>>, vector<16xf32>,
        %add3A_253 = arith.addi %add3A_52, %broadcast_in_dim3A_235 : vector<16xi32>
        %add3A_254 = arith.constant 2 : i32
        %add3A_255 = arith.addi %mul3A_179, %add3A_254 : i32
        %get3A_256 = arith.index_cast %add3A_255 : i32 to index
        %get3A_257 = arith.constant 48 : index
        %get3A_258 = tpu.vector_load %arg8[%get3A_256, %get3A_257] {strides = array<i32>} : memref<128x128xf32, #tpu.memory_space<vmem>>, vector<16xf32>,
        %add3A_259 = arith.addi %add3A_58, %broadcast_in_dim3A_235 : vector<16xi32>
        %add3A_260 = arith.constant 3 : i32
        %add3A_261 = arith.addi %mul3A_179, %add3A_260 : i32
        %broadcast_in_dim3A_262 = vector.broadcast %add3A_261 : i32 to vector<16xi32>
        %add3A_263 = arith.constant 3 : i32
        %add3A_264 = arith.addi %mul3A_179, %add3A_263 : i32
        %get3A_265 = arith.index_cast %add3A_264 : i32 to index
        %get3A_266 = arith.constant 0 : index
        %get3A_267 = tpu.vector_load %arg8[%get3A_265, %get3A_266] {strides = array<i32>} : memref<128x128xf32, #tpu.memory_space<vmem>>, vector<16xf32>,
        %add3A_268 = arith.addi %add3A_40, %broadcast_in_dim3A_262 : vector<16xi32>
        %add3A_269 = arith.constant 3 : i32
        %add3A_270 = arith.addi %mul3A_179, %add3A_269 : i32
        %get3A_271 = arith.index_cast %add3A_270 : i32 to index
        %get3A_272 = arith.constant 16 : index
        %get3A_273 = tpu.vector_load %arg8[%get3A_271, %get3A_272] {strides = array<i32>} : memref<128x128xf32, #tpu.memory_space<vmem>>, vector<16xf32>,
        %add3A_274 = arith.addi %add3A_46, %broadcast_in_dim3A_262 : vector<16xi32>
        %add3A_275 = arith.constant 3 : i32
        %add3A_276 = arith.addi %mul3A_179, %add3A_275 : i32
        %get3A_277 = arith.index_cast %add3A_276 : i32 to index
        %get3A_278 = arith.constant 32 : index
        %get3A_279 = tpu.vector_load %arg8[%get3A_277, %get3A_278] {strides = array<i32>} : memref<128x128xf32, #tpu.memory_space<vmem>>, vector<16xf32>,
        %add3A_280 = arith.addi %add3A_52, %broadcast_in_dim3A_262 : vector<16xi32>
        %add3A_281 = arith.constant 3 : i32
        %add3A_282 = arith.addi %mul3A_179, %add3A_281 : i32
        %get3A_283 = arith.index_cast %add3A_282 : i32 to index
        %get3A_284 = arith.constant 48 : index
        %get3A_285 = tpu.vector_load %arg8[%get3A_283, %get3A_284] {strides = array<i32>} : memref<128x128xf32, #tpu.memory_space<vmem>>, vector<16xf32>,
        %add3A_286 = arith.addi %add3A_58, %broadcast_in_dim3A_262 : vector<16xi32>
        tpu.vector_store_idx %arg12[%add3A_187], %get3A_186 : memref<8272xf32, #tpu.memory_space<vmem>>[vector<16xi32>], vector<16xf32>,
        tpu.vector_store_idx %arg12[%add3A_193], %get3A_192 : memref<8272xf32, #tpu.memory_space<vmem>>[vector<16xi32>], vector<16xf32>,
        tpu.vector_store_idx %arg12[%add3A_199], %get3A_198 : memref<8272xf32, #tpu.memory_space<vmem>>[vector<16xi32>], vector<16xf32>,
        tpu.vector_store_idx %arg12[%add3A_205], %get3A_204 : memref<8272xf32, #tpu.memory_space<vmem>>[vector<16xi32>], vector<16xf32>,
        tpu.vector_store_idx %arg12[%add3A_214], %get3A_213 : memref<8272xf32, #tpu.memory_space<vmem>>[vector<16xi32>], vector<16xf32>,
        tpu.vector_store_idx %arg12[%add3A_220], %get3A_219 : memref<8272xf32, #tpu.memory_space<vmem>>[vector<16xi32>], vector<16xf32>,
        tpu.vector_store_idx %arg12[%add3A_226], %get3A_225 : memref<8272xf32, #tpu.memory_space<vmem>>[vector<16xi32>], vector<16xf32>,
        tpu.vector_store_idx %arg12[%add3A_232], %get3A_231 : memref<8272xf32, #tpu.memory_space<vmem>>[vector<16xi32>], vector<16xf32>,
        tpu.vector_store_idx %arg12[%add3A_241], %get3A_240 : memref<8272xf32, #tpu.memory_space<vmem>>[vector<16xi32>], vector<16xf32>,
        tpu.vector_store_idx %arg12[%add3A_247], %get3A_246 : memref<8272xf32, #tpu.memory_space<vmem>>[vector<16xi32>], vector<16xf32>,
        tpu.vector_store_idx %arg12[%add3A_253], %get3A_252 : memref<8272xf32, #tpu.memory_space<vmem>>[vector<16xi32>], vector<16xf32>,
        tpu.vector_store_idx %arg12[%add3A_259], %get3A_258 : memref<8272xf32, #tpu.memory_space<vmem>>[vector<16xi32>], vector<16xf32>,
        tpu.vector_store_idx %arg12[%add3A_268], %get3A_267 : memref<8272xf32, #tpu.memory_space<vmem>>[vector<16xi32>], vector<16xf32>,
        tpu.vector_store_idx %arg12[%add3A_274], %get3A_273 : memref<8272xf32, #tpu.memory_space<vmem>>[vector<16xi32>], vector<16xf32>,
        tpu.vector_store_idx %arg12[%add3A_280], %get3A_279 : memref<8272xf32, #tpu.memory_space<vmem>>[vector<16xi32>], vector<16xf32>,
        tpu.vector_store_idx %arg12[%add3A_286], %get3A_285 : memref<8272xf32, #tpu.memory_space<vmem>>[vector<16xi32>], vector<16xf32>,
      }
      %scan3A_157 = arith.constant 32 : i32
      %scan3A_158 = arith.constant 0 : i32
      %scan3A_159 = arith.constant 0 : i32
      %scan3A_160 = arith.constant 32 : i32
      %scan3A_161 = arith.addi %scan3A_159, %scan3A_160 : i32
      %scan3A_162 = arith.constant 1 : i32
      scf.for %scan3A_177 = %scan3A_159 to %scan3A_161 step %scan3A_162  : i32 {
        %mul3A_178 = arith.constant 2 : i32
        %mul3A_179 = arith.muli %mul3A_178, %scan3A_177 : i32
        %add3A_180 = arith.constant 0 : i32
        %add3A_181 = arith.addi %mul3A_179, %add3A_180 : i32
        %mul3A_182 = arith.constant 129 : i32
        %mul3A_183 = arith.muli %add3A_181, %mul3A_182 : i32
        %broadcast_in_dim3A_184 = vector.broadcast %mul3A_183 : i32 to vector<16xi32>
        %broadcast_in_dim3A_185 = vector.broadcast %add3A_181 : i32 to vector<16xi32>
        %gather3A = tpu.vector_load_idx %arg11[%broadcast_in_dim3A_151, %broadcast_in_dim3A_185] : memref<200x64xf32, #tpu.memory_space<vmem>>[vector<16xi32>, vector<16xi32>], vector<16xf32>,
        %add3A_186 = arith.addi %broadcast_in_dim3A_184, %add3A_5 : vector<16xi32>
        %gather3A_187 = tpu.vector_load_idx %arg12[%add3A_186] : memref<8272xf32, #tpu.memory_space<vmem>>[vector<16xi32>], vector<16xf32>,
        %add3A_188 = arith.addi %broadcast_in_dim3A_184, %add3A_9 : vector<16xi32>
        %gather3A_189 = tpu.vector_load_idx %arg12[%add3A_188] : memref<8272xf32, #tpu.memory_space<vmem>>[vector<16xi32>], vector<16xf32>,
        %add3A_190 = arith.addi %broadcast_in_dim3A_184, %add3A_13 : vector<16xi32>
        %gather3A_191 = tpu.vector_load_idx %arg12[%add3A_190] : memref<8272xf32, #tpu.memory_space<vmem>>[vector<16xi32>], vector<16xf32>,
        %add3A_192 = arith.addi %broadcast_in_dim3A_184, %add3A_17 : vector<16xi32>
        %gather3A_193 = tpu.vector_load_idx %arg12[%add3A_192] : memref<8272xf32, #tpu.memory_space<vmem>>[vector<16xi32>], vector<16xf32>,
        %add3A_194 = arith.addi %broadcast_in_dim3A_184, %add3A_21 : vector<16xi32>
        %gather3A_195 = tpu.vector_load_idx %arg12[%add3A_194] : memref<8272xf32, #tpu.memory_space<vmem>>[vector<16xi32>], vector<16xf32>,
        %add3A_196 = arith.addi %broadcast_in_dim3A_184, %add3A_25 : vector<16xi32>
        %gather3A_197 = tpu.vector_load_idx %arg12[%add3A_196] : memref<8272xf32, #tpu.memory_space<vmem>>[vector<16xi32>], vector<16xf32>,
        %add3A_198 = arith.addi %broadcast_in_dim3A_184, %add3A_29 : vector<16xi32>
        %gather3A_199 = tpu.vector_load_idx %arg12[%add3A_198] : memref<8272xf32, #tpu.memory_space<vmem>>[vector<16xi32>], vector<16xf32>,
        %add3A_200 = arith.addi %broadcast_in_dim3A_184, %add3A_33 : vector<16xi32>
        %gather3A_201 = tpu.vector_load_idx %arg12[%add3A_200] : memref<8272xf32, #tpu.memory_space<vmem>>[vector<16xi32>], vector<16xf32>,
        %add3A_202 = arith.constant 1 : i32
        %add3A_203 = arith.addi %mul3A_179, %add3A_202 : i32
        %mul3A_204 = arith.constant 129 : i32
        %mul3A_205 = arith.muli %add3A_203, %mul3A_204 : i32
        %broadcast_in_dim3A_206 = vector.broadcast %mul3A_205 : i32 to vector<16xi32>
        %broadcast_in_dim3A_207 = vector.broadcast %add3A_203 : i32 to vector<16xi32>
        %gather3A_208 = tpu.vector_load_idx %arg11[%broadcast_in_dim3A_151, %broadcast_in_dim3A_207] : memref<200x64xf32, #tpu.memory_space<vmem>>[vector<16xi32>, vector<16xi32>], vector<16xf32>,
        %add3A_209 = arith.addi %broadcast_in_dim3A_206, %add3A_5 : vector<16xi32>
        %gather3A_210 = tpu.vector_load_idx %arg12[%add3A_209] : memref<8272xf32, #tpu.memory_space<vmem>>[vector<16xi32>], vector<16xf32>,
        %add3A_211 = arith.addi %broadcast_in_dim3A_206, %add3A_9 : vector<16xi32>
        %gather3A_212 = tpu.vector_load_idx %arg12[%add3A_211] : memref<8272xf32, #tpu.memory_space<vmem>>[vector<16xi32>], vector<16xf32>,
        %add3A_213 = arith.addi %broadcast_in_dim3A_206, %add3A_13 : vector<16xi32>
        %gather3A_214 = tpu.vector_load_idx %arg12[%add3A_213] : memref<8272xf32, #tpu.memory_space<vmem>>[vector<16xi32>], vector<16xf32>,
        %add3A_215 = arith.addi %broadcast_in_dim3A_206, %add3A_17 : vector<16xi32>
        %gather3A_216 = tpu.vector_load_idx %arg12[%add3A_215] : memref<8272xf32, #tpu.memory_space<vmem>>[vector<16xi32>], vector<16xf32>,
        %add3A_217 = arith.addi %broadcast_in_dim3A_206, %add3A_21 : vector<16xi32>
        %gather3A_218 = tpu.vector_load_idx %arg12[%add3A_217] : memref<8272xf32, #tpu.memory_space<vmem>>[vector<16xi32>], vector<16xf32>,
        %add3A_219 = arith.addi %broadcast_in_dim3A_206, %add3A_25 : vector<16xi32>
        %gather3A_220 = tpu.vector_load_idx %arg12[%add3A_219] : memref<8272xf32, #tpu.memory_space<vmem>>[vector<16xi32>], vector<16xf32>,
        %add3A_221 = arith.addi %broadcast_in_dim3A_206, %add3A_29 : vector<16xi32>
        %gather3A_222 = tpu.vector_load_idx %arg12[%add3A_221] : memref<8272xf32, #tpu.memory_space<vmem>>[vector<16xi32>], vector<16xf32>,
        %add3A_223 = arith.addi %broadcast_in_dim3A_206, %add3A_33 : vector<16xi32>
        %gather3A_224 = tpu.vector_load_idx %arg12[%add3A_223] : memref<8272xf32, #tpu.memory_space<vmem>>[vector<16xi32>], vector<16xf32>,
        %add3A_225 = arith.addf %gather3A_187, %gather3A : vector<16xf32>
        %add3A_226 = arith.constant 0 : i32
        %add3A_227 = arith.addi %mul3A_179, %add3A_226 : i32
        %swap3A = arith.index_cast %add3A_227 : i32 to index
        %swap3A_228 = arith.constant 0 : index
        %swap3A_229 = tpu.vector_load %arg10[%swap3A, %swap3A_228] {strides = array<i32>} : memref<64x128xf32, #tpu.memory_space<vmem>>, vector<16xf32>,
        tpu.vector_store %arg10[%swap3A, %swap3A_228], %add3A_225 {strides = array<i32>} : memref<64x128xf32, #tpu.memory_space<vmem>>, vector<16xf32>,
        %add3A_230 = arith.addf %gather3A_189, %gather3A : vector<16xf32>
        %add3A_231 = arith.constant 0 : i32
        %add3A_232 = arith.addi %mul3A_179, %add3A_231 : i32
        %swap3A_233 = arith.index_cast %add3A_232 : i32 to index
        %swap3A_234 = arith.constant 16 : index
        %swap3A_235 = tpu.vector_load %arg10[%swap3A_233, %swap3A_234] {strides = array<i32>} : memref<64x128xf32, #tpu.memory_space<vmem>>, vector<16xf32>,
        tpu.vector_store %arg10[%swap3A_233, %swap3A_234], %add3A_230 {strides = array<i32>} : memref<64x128xf32, #tpu.memory_space<vmem>>, vector<16xf32>,
        %add3A_236 = arith.addf %gather3A_191, %gather3A : vector<16xf32>
        %add3A_237 = arith.constant 0 : i32
        %add3A_238 = arith.addi %mul3A_179, %add3A_237 : i32
        %swap3A_239 = arith.index_cast %add3A_238 : i32 to index
        %swap3A_240 = arith.constant 32 : index
        %swap3A_241 = tpu.vector_load %arg10[%swap3A_239, %swap3A_240] {strides = array<i32>} : memref<64x128xf32, #tpu.memory_space<vmem>>, vector<16xf32>,
        tpu.vector_store %arg10[%swap3A_239, %swap3A_240], %add3A_236 {strides = array<i32>} : memref<64x128xf32, #tpu.memory_space<vmem>>, vector<16xf32>,
        %add3A_242 = arith.addf %gather3A_193, %gather3A : vector<16xf32>
        %add3A_243 = arith.constant 0 : i32
        %add3A_244 = arith.addi %mul3A_179, %add3A_243 : i32
        %swap3A_245 = arith.index_cast %add3A_244 : i32 to index
        %swap3A_246 = arith.constant 48 : index
        %swap3A_247 = tpu.vector_load %arg10[%swap3A_245, %swap3A_246] {strides = array<i32>} : memref<64x128xf32, #tpu.memory_space<vmem>>, vector<16xf32>,
        tpu.vector_store %arg10[%swap3A_245, %swap3A_246], %add3A_242 {strides = array<i32>} : memref<64x128xf32, #tpu.memory_space<vmem>>, vector<16xf32>,
        %add3A_248 = arith.addf %gather3A_195, %gather3A : vector<16xf32>
        %add3A_249 = arith.constant 0 : i32
        %add3A_250 = arith.addi %mul3A_179, %add3A_249 : i32
        %swap3A_251 = arith.index_cast %add3A_250 : i32 to index
        %swap3A_252 = arith.constant 64 : index
        %swap3A_253 = tpu.vector_load %arg10[%swap3A_251, %swap3A_252] {strides = array<i32>} : memref<64x128xf32, #tpu.memory_space<vmem>>, vector<16xf32>,
        tpu.vector_store %arg10[%swap3A_251, %swap3A_252], %add3A_248 {strides = array<i32>} : memref<64x128xf32, #tpu.memory_space<vmem>>, vector<16xf32>,
        %add3A_254 = arith.addf %gather3A_197, %gather3A : vector<16xf32>
        %add3A_255 = arith.constant 0 : i32
        %add3A_256 = arith.addi %mul3A_179, %add3A_255 : i32
        %swap3A_257 = arith.index_cast %add3A_256 : i32 to index
        %swap3A_258 = arith.constant 80 : index
        %swap3A_259 = tpu.vector_load %arg10[%swap3A_257, %swap3A_258] {strides = array<i32>} : memref<64x128xf32, #tpu.memory_space<vmem>>, vector<16xf32>,
        tpu.vector_store %arg10[%swap3A_257, %swap3A_258], %add3A_254 {strides = array<i32>} : memref<64x128xf32, #tpu.memory_space<vmem>>, vector<16xf32>,
        %add3A_260 = arith.addf %gather3A_199, %gather3A : vector<16xf32>
        %add3A_261 = arith.constant 0 : i32
        %add3A_262 = arith.addi %mul3A_179, %add3A_261 : i32
        %swap3A_263 = arith.index_cast %add3A_262 : i32 to index
        %swap3A_264 = arith.constant 96 : index
        %swap3A_265 = tpu.vector_load %arg10[%swap3A_263, %swap3A_264] {strides = array<i32>} : memref<64x128xf32, #tpu.memory_space<vmem>>, vector<16xf32>,
        tpu.vector_store %arg10[%swap3A_263, %swap3A_264], %add3A_260 {strides = array<i32>} : memref<64x128xf32, #tpu.memory_space<vmem>>, vector<16xf32>,
        %add3A_266 = arith.addf %gather3A_201, %gather3A : vector<16xf32>
        %add3A_267 = arith.constant 0 : i32
        %add3A_268 = arith.addi %mul3A_179, %add3A_267 : i32
        %swap3A_269 = arith.index_cast %add3A_268 : i32 to index
        %swap3A_270 = arith.constant 112 : index
        %swap3A_271 = tpu.vector_load %arg10[%swap3A_269, %swap3A_270] {strides = array<i32>} : memref<64x128xf32, #tpu.memory_space<vmem>>, vector<16xf32>,
        tpu.vector_store %arg10[%swap3A_269, %swap3A_270], %add3A_266 {strides = array<i32>} : memref<64x128xf32, #tpu.memory_space<vmem>>, vector<16xf32>,
        %add3A_272 = arith.addf %gather3A_210, %gather3A_208 : vector<16xf32>
        %add3A_273 = arith.constant 1 : i32
        %add3A_274 = arith.addi %mul3A_179, %add3A_273 : i32
        %swap3A_275 = arith.index_cast %add3A_274 : i32 to index
        %swap3A_276 = arith.constant 0 : index
        %swap3A_277 = tpu.vector_load %arg10[%swap3A_275, %swap3A_276] {strides = array<i32>} : memref<64x128xf32, #tpu.memory_space<vmem>>, vector<16xf32>,
        tpu.vector_store %arg10[%swap3A_275, %swap3A_276], %add3A_272 {strides = array<i32>} : memref<64x128xf32, #tpu.memory_space<vmem>>, vector<16xf32>,
        %add3A_278 = arith.addf %gather3A_212, %gather3A_208 : vector<16xf32>
        %add3A_279 = arith.constant 1 : i32
        %add3A_280 = arith.addi %mul3A_179, %add3A_279 : i32
        %swap3A_281 = arith.index_cast %add3A_280 : i32 to index
        %swap3A_282 = arith.constant 16 : index
        %swap3A_283 = tpu.vector_load %arg10[%swap3A_281, %swap3A_282] {strides = array<i32>} : memref<64x128xf32, #tpu.memory_space<vmem>>, vector<16xf32>,
        tpu.vector_store %arg10[%swap3A_281, %swap3A_282], %add3A_278 {strides = array<i32>} : memref<64x128xf32, #tpu.memory_space<vmem>>, vector<16xf32>,
        %add3A_284 = arith.addf %gather3A_214, %gather3A_208 : vector<16xf32>
        %add3A_285 = arith.constant 1 : i32
        %add3A_286 = arith.addi %mul3A_179, %add3A_285 : i32
        %swap3A_287 = arith.index_cast %add3A_286 : i32 to index
        %swap3A_288 = arith.constant 32 : index
        %swap3A_289 = tpu.vector_load %arg10[%swap3A_287, %swap3A_288] {strides = array<i32>} : memref<64x128xf32, #tpu.memory_space<vmem>>, vector<16xf32>,
        tpu.vector_store %arg10[%swap3A_287, %swap3A_288], %add3A_284 {strides = array<i32>} : memref<64x128xf32, #tpu.memory_space<vmem>>, vector<16xf32>,
        %add3A_290 = arith.addf %gather3A_216, %gather3A_208 : vector<16xf32>
        %add3A_291 = arith.constant 1 : i32
        %add3A_292 = arith.addi %mul3A_179, %add3A_291 : i32
        %swap3A_293 = arith.index_cast %add3A_292 : i32 to index
        %swap3A_294 = arith.constant 48 : index
        %swap3A_295 = tpu.vector_load %arg10[%swap3A_293, %swap3A_294] {strides = array<i32>} : memref<64x128xf32, #tpu.memory_space<vmem>>, vector<16xf32>,
        tpu.vector_store %arg10[%swap3A_293, %swap3A_294], %add3A_290 {strides = array<i32>} : memref<64x128xf32, #tpu.memory_space<vmem>>, vector<16xf32>,
        %add3A_296 = arith.addf %gather3A_218, %gather3A_208 : vector<16xf32>
        %add3A_297 = arith.constant 1 : i32
        %add3A_298 = arith.addi %mul3A_179, %add3A_297 : i32
        %swap3A_299 = arith.index_cast %add3A_298 : i32 to index
        %swap3A_300 = arith.constant 64 : index
        %swap3A_301 = tpu.vector_load %arg10[%swap3A_299, %swap3A_300] {strides = array<i32>} : memref<64x128xf32, #tpu.memory_space<vmem>>, vector<16xf32>,
        tpu.vector_store %arg10[%swap3A_299, %swap3A_300], %add3A_296 {strides = array<i32>} : memref<64x128xf32, #tpu.memory_space<vmem>>, vector<16xf32>,
        %add3A_302 = arith.addf %gather3A_220, %gather3A_208 : vector<16xf32>
        %add3A_303 = arith.constant 1 : i32
        %add3A_304 = arith.addi %mul3A_179, %add3A_303 : i32
        %swap3A_305 = arith.index_cast %add3A_304 : i32 to index
        %swap3A_306 = arith.constant 80 : index
        %swap3A_307 = tpu.vector_load %arg10[%swap3A_305, %swap3A_306] {strides = array<i32>} : memref<64x128xf32, #tpu.memory_space<vmem>>, vector<16xf32>,
        tpu.vector_store %arg10[%swap3A_305, %swap3A_306], %add3A_302 {strides = array<i32>} : memref<64x128xf32, #tpu.memory_space<vmem>>, vector<16xf32>,
        %add3A_308 = arith.addf %gather3A_222, %gather3A_208 : vector<16xf32>
        %add3A_309 = arith.constant 1 : i32
        %add3A_310 = arith.addi %mul3A_179, %add3A_309 : i32
        %swap3A_311 = arith.index_cast %add3A_310 : i32 to index
        %swap3A_312 = arith.constant 96 : index
        %swap3A_313 = tpu.vector_load %arg10[%swap3A_311, %swap3A_312] {strides = array<i32>} : memref<64x128xf32, #tpu.memory_space<vmem>>, vector<16xf32>,
        tpu.vector_store %arg10[%swap3A_311, %swap3A_312], %add3A_308 {strides = array<i32>} : memref<64x128xf32, #tpu.memory_space<vmem>>, vector<16xf32>,
        %add3A_314 = arith.addf %gather3A_224, %gather3A_208 : vector<16xf32>
        %add3A_315 = arith.constant 1 : i32
        %add3A_316 = arith.addi %mul3A_179, %add3A_315 : i32
        %swap3A_317 = arith.index_cast %add3A_316 : i32 to index
        %swap3A_318 = arith.constant 112 : index
        %swap3A_319 = tpu.vector_load %arg10[%swap3A_317, %swap3A_318] {strides = array<i32>} : memref<64x128xf32, #tpu.memory_space<vmem>>, vector<16xf32>,
        tpu.vector_store %arg10[%swap3A_317, %swap3A_318], %add3A_314 {strides = array<i32>} : memref<64x128xf32, #tpu.memory_space<vmem>>, vector<16xf32>,
      }
      %scan3A_163 = arith.constant 32 : i32
      %add3A_164 = arith.constant 1 : i32
      %add3A_165 = arith.addi %mul3A_94, %add3A_164 : i32
      %dma_start3A_166 = arith.constant 0 : i32
      %dma_start3A_167 = tpu.memref_slice %arg5[%add3A_165, %dma_start3A_166, %multiple_of3A] : memref<200x64x4096xf32, #tpu.memory_space<hbm>> -> memref<1x64x128xf32, #tpu.memory_space<hbm>>
      %dma_start3A_168 = tpu.memref_squeeze %dma_start3A_167 : memref<1x64x128xf32, #tpu.memory_space<hbm>> -> memref<64x128xf32, #tpu.memory_space<hbm>>
      %dma_start3A_169 = arith.constant 0 : i32
      %dma_start3A_170 = tpu.memref_slice %arg5[%add3A_165, %dma_start3A_169, %multiple_of3A] : memref<200x64x4096xf32, #tpu.memory_space<hbm>> -> memref<1x64x128xf32, #tpu.memory_space<hbm>>
      %dma_start3A_171 = tpu.memref_squeeze %dma_start3A_170 : memref<1x64x128xf32, #tpu.memory_space<hbm>> -> memref<64x128xf32, #tpu.memory_space<hbm>>
      tpu.enqueue_dma source(%arg10 : memref<64x128xf32, #tpu.memory_space<vmem>>) target(%dma_start3A_171 : memref<64x128xf32, #tpu.memory_space<hbm>>) target_semaphore(%arg16 : memref<!tpu.dma_semaphore, #tpu.memory_space<semaphore_mem>>)
      %lt3A_172 = arith.constant 99 : i32
      %lt3A_173 = arith.cmpi slt, %scan3A_92, %lt3A_172 : i32
      %convert_element_type3A_174 = arith.extui %lt3A_173 : i1 to i32
      %cond3A_175 = arith.constant 0 : i32
      %cond3A_176 = arith.cmpi ne, %convert_element_type3A_174, %cond3A_175 : i32
      scf.if %cond3A_176 {
        %add3A_177 = arith.constant 3 : i32
        %add3A_178 = arith.addi %mul3A_94, %add3A_177 : i32
        %rem3A_179 = arith.constant 8 : i32
        %rem3A_180 = arith.remsi %add3A_178, %rem3A_179 : i32
        %dma_start3A_181 = arith.constant 0 : i32
        %dma_start3A_182 = tpu.memref_slice %arg6[%rem3A_180, %dma_start3A_181] : memref<8x128xi32, #tpu.memory_space<vmem>> -> memref<1x128xi32, #tpu.memory_space<vmem>>
        %dma_start3A_183 = tpu.memref_squeeze %dma_start3A_182 : memref<1x128xi32, #tpu.memory_space<vmem>> -> memref<128xi32, #tpu.memory_space<vmem>>
        %dma_start3A_184 = arith.constant 0 : i32
        %dma_start3A_185 = arith.constant 0 : i32
        %dma_start3A_186 = tpu.memref_slice %arg3[%dma_start3A_184, %dma_start3A_185] : memref<100000x128xf32, #tpu.memory_space<hbm>> -> memref<100000x128xf32, #tpu.memory_space<hbm>>
        tpu.enqueue_indirect_dma source(%dma_start3A_186 : memref<100000x128xf32, #tpu.memory_space<hbm>>) target(%arg8 : memref<128x128xf32, #tpu.memory_space<vmem>>) offsets(%dma_start3A_183 : memref<128xi32, #tpu.memory_space<vmem>>) semaphore(%arg14 : memref<!tpu.dma_semaphore, #tpu.memory_space<semaphore_mem>>)
      } else {
      }
    }
    %scan3A_78 = arith.constant 100 : i32
    %dma_wait3A = arith.constant 198 : i32
    %dma_wait3A_79 = arith.constant 0 : i32
    %dma_wait3A_80 = tpu.memref_slice %arg5[%dma_wait3A, %dma_wait3A_79, %multiple_of3A] : memref<200x64x4096xf32, #tpu.memory_space<hbm>> -> memref<1x64x128xf32, #tpu.memory_space<hbm>>
    %dma_wait3A_81 = tpu.memref_squeeze %dma_wait3A_80 : memref<1x64x128xf32, #tpu.memory_space<hbm>> -> memref<64x128xf32, #tpu.memory_space<hbm>>
    %dma_wait3A_82 = arith.constant 0 : i32
    %dma_wait3A_83 = tpu.memref_slice %arg5[%dma_wait3A, %dma_wait3A_82, %multiple_of3A] : memref<200x64x4096xf32, #tpu.memory_space<hbm>> -> memref<1x64x128xf32, #tpu.memory_space<hbm>>
    %dma_wait3A_84 = tpu.memref_squeeze %dma_wait3A_83 : memref<1x64x128xf32, #tpu.memory_space<hbm>> -> memref<64x128xf32, #tpu.memory_space<hbm>>
    tpu.wait_dma2 semaphore(%arg15 : memref<!tpu.dma_semaphore, #tpu.memory_space<semaphore_mem>>) src(%arg9 : memref<64x128xf32, #tpu.memory_space<vmem>>) dst(%dma_wait3A_84 : memref<64x128xf32, #tpu.memory_space<hbm>>)
    %dma_wait3A_85 = arith.constant 199 : i32
    %dma_wait3A_86 = arith.constant 0 : i32
    %dma_wait3A_87 = tpu.memref_slice %arg5[%dma_wait3A_85, %dma_wait3A_86, %multiple_of3A] : memref<200x64x4096xf32, #tpu.memory_space<hbm>> -> memref<1x64x128xf32, #tpu.memory_space<hbm>>
    %dma_wait3A_88 = tpu.memref_squeeze %dma_wait3A_87 : memref<1x64x128xf32, #tpu.memory_space<hbm>> -> memref<64x128xf32, #tpu.memory_space<hbm>>
    %dma_wait3A_89 = arith.constant 0 : i32
    %dma_wait3A_90 = tpu.memref_slice %arg5[%dma_wait3A_85, %dma_wait3A_89, %multiple_of3A] : memref<200x64x4096xf32, #tpu.memory_space<hbm>> -> memref<1x64x128xf32, #tpu.memory_space<hbm>>
    %dma_wait3A_91 = tpu.memref_squeeze %dma_wait3A_90 : memref<1x64x128xf32, #tpu.memory_space<hbm>> -> memref<64x128xf32, #tpu.memory_space<hbm>>
    tpu.wait_dma2 semaphore(%arg16 : memref<!tpu.dma_semaphore, #tpu.memory_space<semaphore_mem>>) src(%arg10 : memref<64x128xf32, #tpu.memory_space<vmem>>) dst(%dma_wait3A_91 : memref<64x128xf32, #tpu.memory_space<hbm>>)
    return
  }
}

</mosaic_0001>

<sc_bundles>
// kernel: kernel.3.cloned.1.call-start
scs
__scs_entry_jumppad:
0x0: {  	(pc) =	sbr.rel $0x88, $3  }
0x1: {  	(tag) =	ssettag $0x0;
	lr =	simm.s32 $0x1  }
0x2: {  	[smem:$0x3F9E] =	sst lr;
	_ =	strace $0xD0000000  }
0x3: {  	_ = 	snop  }
0x4: {  	_ = 	snop  }
0x5: {  	_ = 	snop  }
0x6: {  	_ = 	snop  }
0x7: {  	_ = 	snop  }
__scs_overlays_trampoline_lowered:
0x8: {  	[smem:$0x3FAD] =	sst s0  }
0x9: {  	[smem:$0x3FAE] =	sst s1  }
0xa: {  	[smem:$0x3FAF] =	sst s2  }
0xb: {  	[smem:$0x3FB0] =	sst s3  }
0xc: {  	[smem:$0x3FB1] =	sst s4  }
0xd: {  	[smem:$0x3FB2] =	sst s5  }
0xe: {  	[smem:$0x3FB3] =	sst s6  }
0xf: {  	[smem:$0x3FB4] =	sst s7  }
0x10: {  	[smem:$0x3FB5] =	sst s8  }
0x11: {  	[smem:$0x3FB6] =	sst s9;
	s0 =	simm.s32 @!p0 $0x0  }
0x12: {  	s1 =	sld [smem:$0x3F9C];
	s0 =	simm.s32 @p0 $0x1  }
0x13: {  	[smem:$0x3FB7] =	sst s0;
	s0 =	simm.s32 @!p1 $0x0  }
0x14: {  	s2 =	sld [smem:$0x3F9B];
	s0 =	simm.s32 @p1 $0x1  }
0x15: {  	[smem:$0x3FB8] =	sst s0;
	s0 =	simm.s32 @!p2 $0x0  }
0x16: {  	s3 =	sld [smem:$0x3FDB];
	s0 =	simm.s32 @p2 $0x1  }
0x17: {  	s4 =	simm.s32 $0x1BF5;
	[smem:$0x3FBA] =	sst s0  }
0x18: {  	s0 =	sld [smem:$0x3F9D];
	_ =	swait.ge [sflag:s4], $0x0  }
0x19: {  	s7 =	sld [smem:$0x3F9E]  }
0x1a: {  	s8 =	sadd.s32 $0xFFFFE003, lr  }
0x1b: {  	s9 =	sadd.s32 $0xFFFFFEF7, lr;
	s5 =	simm.s32 $0xFFFFFFFF;
	p2 =	slt.u32 s8, $0xFFFFF086  }
0x1c: {  	p1 =	slt.u32 s9, $0xF7A;
	s5 =	simm.s32 @!p2 $0x0  }
0x1d: {  	s5 =	simm.s32 @p1 $0x1;
	p0 =	seq.s32 s7, s2  }
0x1e: {  	s7 =	smul.u32 @!p0 $0xF7A, s2;
	p2 =	seq.s32 @!p0 s5, $0x0  }
0x1f: {  	s9 =	smul.u32 $0xF7A, s1;
	s8 =	simm.s32 @!p0 $0x1BF5;
	p2 =	por !p2, p0  }
0x20: {  	[sflag:s8] =	ssyncset.s32 @!p0 $0xFFFFF086;
	s6 =	sadd.s32 @!p0 s3, s7;
	s7 =	simm.s32 @!p0 $0x108  }
0x21: {  	s3 =	sadd.s32 s3, s9;
	s6 =	sadd.s32 @!p0 $0x88, s6;
	s7 =	simm.s32 @p2 $0x1082  }
0x22: {  	[simem:s7], [sflag:s8] =	dma.local @!p0 [hbm:s6], $0xF7A  }
0x23: {  	s9 =	sor.u32 $0xD0000000, s2;
	s6 =	simm.s32 $0x108;
	_ =	swait.ge @!p0 [sflag:s8], $0x0  }
0x24: {  	s3 =	sadd.s32 $0x88, s3;
	s6 =	simm.s32 @!p1 $0x1082;
	[sflag:s4] =	ssyncset.s32 $0xFFFFF086  }
0x25: {  	[simem:s6], [sflag:s4] =	dma.local [hbm:s3], $0xF7A  }
0x26: {  	[smem:$0x3F9E] =	sst s1;
	(tag) =	ssettag s2;
	_ =	strace s9  }
0x27: {  	s1 =	sld [smem:$0x3FAE]  }
0x28: {  	s2 =	sld [smem:$0x3FAF]  }
0x29: {  	s4 =	sld [smem:$0x3FB1]  }
0x2a: {  	p0 =	seq.s32 s5, $0x0;
	s5 =	sld [smem:$0x3FB2]  }
0x2b: {  	s6 =	sld [smem:$0x3FB3]  }
0x2c: {  	s7 =	sld [smem:$0x3FB4]  }
0x2d: {  	s3 =	simm.s32 $0x108;
	s8 =	sld [smem:$0x3FB5]  }
0x2e: {  	s3 =	simm.s32 @!p0 $0x1082;
	s9 =	sld [smem:$0x3FB6]  }
0x2f: {  	lr =	sadd.s32 s0, s3;
	s0 =	sld [smem:$0x3FAD]  }
0x30: {  	s3 =	sld [smem:$0x3FB0]  }
0x31: {  	[smem:$0x3FB9] =	sst s10  }
0x32: {  	s10 =	sld [smem:$0x3FB7];
	_ =	sdelay $0x3  }
0x33: {  	p0 =	seq.s32 s10, $0x1;
	s10 =	sld [smem:$0x3FB9];
	_ =	sdelay $0x3  }
0x34: {  	[smem:$0x3FB9] =	sst s10  }
0x35: {  	s10 =	sld [smem:$0x3FB8];
	_ =	sdelay $0x3  }
0x36: {  	p1 =	seq.s32 s10, $0x1;
	s10 =	sld [smem:$0x3FB9];
	_ =	sdelay $0x3  }
0x37: {  	[smem:$0x3FB9] =	sst s10  }
0x38: {  	s10 =	sld [smem:$0x3FBA]  }
0x39: {  	_ = 	snop;
	(pc) =	sbr.ind lr, $3  }
0x3a: {  	_ = 	snop  }
0x3b: {  	_ = 	snop  }
0x3c: {  	p2 =	seq.s32 s10, $0x1;
	s10 =	sld [smem:$0x3FB9]  }
0x3d: {  	_ =	shalt  }
0x3e: {  	_ =	shalt  }
0x3f: {  	_ =	shalt  }
0x40: {  	_ =	shalt  }
0x41: {  	_ =	shalt  }
0x42: {  	_ =	shalt  }
0x43: {  	_ =	shalt  }
0x44: {  	_ =	shalt  }
0x45: {  	_ =	shalt  }
0x46: {  	_ =	shalt  }
0x47: {  	_ =	shalt  }
0x48: {  	_ =	shalt  }
0x49: {  	_ =	shalt  }
0x4a: {  	_ =	shalt  }
0x4b: {  	_ =	shalt  }
0x4c: {  	_ =	shalt  }
0x4d: {  	_ =	shalt  }
0x4e: {  	_ =	shalt  }
0x4f: {  	_ =	shalt  }
0x50: {  	_ =	shalt  }
0x51: {  	_ =	shalt  }
0x52: {  	_ =	shalt  }
0x53: {  	_ =	shalt  }
0x54: {  	_ =	shalt  }
0x55: {  	_ =	shalt  }
0x56: {  	_ =	shalt  }
0x57: {  	_ =	shalt  }
0x58: {  	_ =	shalt  }
0x59: {  	_ =	shalt  }
0x5a: {  	_ =	shalt  }
0x5b: {  	_ =	shalt  }
0x5c: {  	_ =	shalt  }
0x5d: {  	_ =	shalt  }
0x5e: {  	_ =	shalt  }
0x5f: {  	_ =	shalt  }
0x60: {  	_ =	shalt  }
0x61: {  	_ =	shalt  }
0x62: {  	_ =	shalt  }
0x63: {  	_ =	shalt  }
0x64: {  	_ =	shalt  }
0x65: {  	_ =	shalt  }
0x66: {  	_ =	shalt  }
0x67: {  	_ =	shalt  }
0x68: {  	_ =	shalt  }
0x69: {  	_ =	shalt  }
0x6a: {  	_ =	shalt  }
0x6b: {  	_ =	shalt  }
0x6c: {  	_ =	shalt  }
0x6d: {  	_ =	shalt  }
0x6e: {  	_ =	shalt  }
0x6f: {  	_ =	shalt  }
0x70: {  	_ =	shalt  }
0x71: {  	_ =	shalt  }
0x72: {  	_ =	shalt  }
0x73: {  	_ =	shalt  }
0x74: {  	_ =	shalt  }
0x75: {  	_ =	shalt  }
0x76: {  	_ =	shalt  }
0x77: {  	_ =	shalt  }
0x78: {  	_ =	shalt  }
0x79: {  	_ =	shalt  }
0x7a: {  	_ =	shalt  }
0x7b: {  	_ =	shalt  }
0x7c: {  	_ =	shalt  }
0x7d: {  	_ =	shalt  }
0x7e: {  	_ =	shalt  }
0x7f: {  	_ =	shalt  }
0x80: {  	_ =	shalt  }
0x81: {  	_ =	shalt  }
0x82: {  	_ =	shalt  }
0x83: {  	_ =	shalt  }
0x84: {  	_ =	shalt  }
0x85: {  	_ =	shalt  }
0x86: {  	_ =	shalt  }
0x87: {  	_ =	shalt  }
.Lfunc_end0:
.L_simem_size_0:
called_computation_lowered:
.L_overlay_start_0:
0x88: {  	s2 =	sld [smem:$0x3FD9]  }
0x89: {  	s3 =	sld [smem:$0x3FFE];
	_ =	sdelay $0x1  }
0x8a: {  	s1 =	srdreg.scid  }
0x8b: {  	s0 =	sand.u32 $0x1, s1  }
0x8c: {  	s17 =	sshll.u32 s0, $0xA;
	s2 =	sadd.s32 s3, s2  }
0x8d: {  	s2 =	sadd.s32 s2, s17  }
0x8e: {  	[smem:$0x3FC5] =	sst s2  }
0x8f: {  	_ = 	snop  }
0x90: {  	s2 =	sld [smem:$0x3FC9]  }
0x91: {  	s18 =	sld [smem:$0x3FD0];
	(tm) =	ssettm $0x1  }
0x92: {  	s4 =	sld [smem:$0x3FFB];
	_ =	sdelay $0x3  }
0x93: {  	_ =	strace s4  }
0x94: {  	s4 =	sld [smem:$0x3FFC];
	_ =	sdelay $0x3  }
0x95: {  	_ =	strace s4  }
0x96: {  	s4 =	sld [smem:$0x3FFD];
	_ =	sdelay $0x3  }
0x97: {  	_ =	strace s4  }
0x98: {  	_ =	strace $0x8FFFFFFF  }
0x99: {  	s19 =	sld [smem:$0x3FDB];
	_ =	sdelay $0x1  }
0x9a: {  	s5 =	simm.s32 $_scs_section_size  }
0x9b: {  	s6 =	simm.s32 $_size__tile_overlayer_lowered;
	s7 =	simm.s32 $_tile_overlayer_lowered  }
0x9c: {  	s22 =	simm.s32 $0x1BFF;
	s21 =	sshll.u32 s7, $0x1;
	s4 =	sadd.s32 s5, s19  }
0x9d: {  	s8 =	simm.s32 $0x0;
	s20 =	sshll.u32 s6, $0x1;
	s6 =	sadd.s32 s21, s4  }
0x9e: {  	[timem:s8], [sflag:s22] =	dma.local [hbm:s6], s20  }
0x9f: {  	_ =	swait.ge [sflag:s22], s20  }
0xa0: {  	s5 =	ssub.s32 $0x0, s20;
	[sflag:s22] =	ssyncset.done $0x0  }
0xa1: {  	[sflag:s22] =	ssyncadd.s32 s5;
	_ =	sdelay $0x1  }
0xa2: {  	s23 =	simm.s32 $0x1B8B  }
0xa3: {  	_ =	swait.ge [sflag:s23], $0x1  }
0xa4: {  	[sflag:s23] =	ssyncset.done $0x0  }
0xa5: {  	s25 =	simm.s32 $0x1B8E;
	s24 =	sld [smem:$0x3FFE];
	[sflag:s23] =	ssyncadd.s32 $0xFFFFFFFF  }
0xa6: {  	s26 =	simm.s32 $execute0_lowered;
	[smem:$0x3FD2] =	sst s25  }
0xa7: {  	s6 =	sshll.u32 s26, $0x1;
	_ =	strace $0x80000046;
	[dreg:$0x1] =	wrdreg $0xFFFFFFFF  }
0xa8: {  	s28 =	simm.s32 $_size_execute0_lowered;
	s4 =	sadd.s32 s4, s6;
	[dreg:$0x0] =	wrdreg $0x0  }
0xa9: {  	s6 =	sshll.u32 s28, $0x1;
	[dreg:$0x2] =	wrdreg s4  }
0xaa: {  	[dreg:$0x3] =	wrdreg s6  }
0xab: {  	[dreg:$0x4] =	wrdreg $0xC0  }
0xac: {  	_ =	task [dreg:s8], $0x5FFFF  }
0xad: {  	[dreg:$0x1] =	wrdreg $0xFFFFFFFF  }
0xae: {  	[dreg:$0x0] =	wrdreg $0x60  }
0xaf: {  	[dreg:$0x2] =	wrdreg s2  }
0xb0: {  	[dreg:$0x3] =	wrdreg s24  }
0xb1: {  	[dreg:$0x4] =	wrdreg s18  }
0xb2: {  	[dreg:$0x5] =	wrdreg $0x9  }
0xb3: {  	_ =	task.clear_ibuf [dreg:s8], $0x6FFFF;
	_ =	strace $0x90000046  }
0xb4: {  	s29 =	simm.s32 $0x9;
	_ =	strace $0x80000048  }
0xb5: {  	_ =	swait.ge [sflag:s29], $0x1  }
0xb6: {  	[sflag:s29] =	ssyncadd.s32 $0xFFFFFFFF  }
0xb7: {  	_ =	strace $0x90000048  }
0xb8: {  	_ =	sfence  }
0xb9: {  	s30 =	sld [smem:$0x0];
	_ =	sdelay $0x2  }
0xba: {  	s31 =	sshll.u32 s1, $0xD;
	s1 =	sshrl.u32 s1, $0x2  }
0xbb: {  	s3 =	sand.u32 $0x4000, s31;
	s1 =	sadd.s32 s1, s30  }
0xbc: {  	s0 =	sor.u32 s3, s0;
	s1 =	sshll.u32 s1, $0x11  }
0xbd: {  	s0 =	sor.u32 s1, s0  }
0xbe: {  	s0 =	sadd.s32 $0x8F2B, s0  }
0xbf: {  	[sflag:s0] =	ssyncadd.remote.s32 $0x1  }
0xc0: {  	_ =	sfence.sel $0xFFFF  }
0xc1: {  	[dreg:$0x0] =	wrdreg $0xFFFFFFFF;
	(pc) =	sbr.abs _section_cstart, $3  }
0xc2: {  	[dreg:$0x1] =	wrdreg $0xFFFFFFFF  }
0xc3: {  	_ =	task.clear_ibuf [dreg:s8], $0x2FFFF;
	_ =	strace $0x9FFFFFFF  }
0xc4: {  	(tm) =	ssettm $0x7FFFFFFF  }
0xc5: {  	_ =	shalt  }
tec
execute0_lowered:
.L_overlay_start_1:
0x0: {  	(tag) =	ssettag $0x1  }
0x1: {  	s1 =	rddreg [dreg:$0x0]  }
0x2: {  	s0 =	rddreg [dreg:$0x1]  }
0x3: {  	s3 =	rddreg [dreg:$0x2];
	s5 =	srdreg.scid;
	s4 =	simm.s32 $0x0  }
0x4: {  	s2 =	stileid.u32;
	s11 =	simm.s32 $0x5;
	s12 =	simm.s32 $0x80  }
0x5: {  	s13 =	simm.s32 $0x400;
	s14 =	simm.s32 $0x4400;
	s15 =	simm.s32 $0x1  }
0x6: {  	s16 =	simm.s32 $0x12800;
	s17 =	simm.s32 $0x8000;
	s18 =	simm.s32 $0x8400  }
0x7: {  	s19 =	simm.s32 $0x2;
	s20 =	simm.s32 $0xA400;
	s21 =	simm.s32 $0x3  }
0x8: {  	s22 =	simm.s32 $0x4;
	s23 =	simm.s32 $0x0;
	s5 =	sand.u32 $0x1, s5  }
.Ltmp0:
0x9: {  	v0 =	vlaneseq.u32;
	[smem:$0x7FF] =	sst s4;
	s6 =	sshll.u32 s2, $0xB;
	(pc) =	sbr.rel .LBB2_1-.Ltmp0, $4  }
0xa: {  	v1 =	vmul.u32 $0x81, v0;
	v5 =	vor.u32 $0x10, v0;
	s7 =	sshll.u32 s5, $0xA;
	_ =	strace $0x80000047;
	s8 =	ssub.s32 $0x2, s5  }
0xb: {  	v6 =	vor.u32 $0x20, v0;
	v7 =	vor.u32 $0x30, v0;
	v8 =	vor.u32 $0x40, v0;
	s5 =	sor.u32 s7, s6;
	s6 =	sadd.s32 $0x1200, s0;
	s9 =	sshrl.u32 s8, $0x1  }
0xc: {  	v9 =	vor.u32 $0x50, v0;
	v10 =	vor.u32 $0x60, v0;
	v11 =	vor.u32 $0x70, v0;
	s7 =	sadd.s32 $0x400, s0;
	s10 =	sshrl.u32 s5, $0x3;
	s31 =	ssub.s32 s8, s9  }
0xd: {  	v2 =	vadd.s32 $0x810, v1;
	v3 =	vadd.s32 $0x1020, v1;
	v4 =	vadd.s32 $0x1830, v1;
	s8 =	sadd.s32 s1, s10;
	s9 =	smax.u32 s31, $0x1;
	s10 =	simm.s32 $0xC400  }
.LBB2_17:
0xe: {  	s23 =	sadd.s32 $0x1, s23  }
0xf: {  	_ =	swait.ge [sflag:s21], $0x2000;
	p0 =	sne.s32 s23, s9  }
.Ltmp1:
0x10: {  	[sflag:s21] =	ssyncset.done $0x0;
	(pc) =	sbr.rel @!p0 .LBB2_18-.Ltmp1, $4  }
0x11: {  	[sflag:s21] =	ssyncadd.s32 $0xFFFFE000  }
0x12: {  	_ =	swait.ge [sflag:s22], $0x2000  }
0x13: {  	[sflag:s22] =	ssyncset.done $0x0  }
0x14: {  	[sflag:s22] =	ssyncadd.s32 $0xFFFFE000  }
.LBB2_1:
0x15: {  	[tilespmem:s10], [sflag:$0x5] =	stream.linear.gather [hbm4b:s7+s4], $0x6400, $0x38;
	[tilespmem:$0x14880] =	vst v63  }
0x16: {  	_ =	swait.ge [sflag:s11], $0x6400  }
0x17: {  	[sflag:s11] =	ssyncset.done $0x0  }
0x18: {  	[sflag:s11] =	ssyncadd.s32 $0xFFFF9C00  }
0x19: {  	[tilespmem:s4], [sflag:$0x5] =	stream.linear.gather [hbm4b:s8+s4], $0x400, $0x38;
	[tilespmem:$0x14880] =	vst v63  }
0x1a: {  	_ =	swait.ge [sflag:s11], $0x400  }
0x1b: {  	[sflag:s11] =	ssyncset.done $0x0  }
0x1c: {  	[sflag:s11] =	ssyncadd.s32 $0xFFFFFC00  }
0x1d: {  	[tilespmem:s13], [sflag:$0x1] =	stream.indirect.gather [hbm4b:s6+s12], $0x80, s4, s12, $0xb8;
	[tilespmem:$0x14880] =	vst v63  }
0x1e: {  	s24 =	simm.s32 $0x0  }
0x1f: {  	[tilespmem:s14], [sflag:$0x2] =	stream.indirect.gather [hbm4b:s6+s12], $0x80, s12, s12, $0xb8;
	[tilespmem:$0x14880] =	vst v63  }
.LBB2_2:
0x20: {  	_ =	swait.ge [sflag:s15], $0x4000  }
0x21: {  	p0 =	sne.s32 s24, $0x0;
	[sflag:s15] =	ssyncset.done $0x0  }
0x22: {  	s0 =	simm.s32 @p0 $0x3;
	[sflag:s15] =	ssyncadd.s32 $0xFFFFC000  }
0x23: {  	_ =	swait.ge @p0 [sflag:s0], $0x2000  }
0x24: {  	[sflag:s0] =	ssyncset.done @p0 $0x0  }
0x25: {  	s26 =	simm.s32 $0x500;
	[sflag:s0] =	ssyncadd.s32 @p0 $0xFFFFE000  }
0x26: {  	v12 =	vld [tilespmem:s26+$0xB0]  }
0x27: {  	v14 =	vld [tilespmem:s26+$0xA0]  }
0x28: {  	v13 =	vld [tilespmem:s26+$0x90]  }
0x29: {  	v15 =	vld [tilespmem:s26+$0x80]  }
0x2a: {  	v16 =	vld [tilespmem:s26+$0x30]  }
0x2b: {  	v17 =	vld [tilespmem:s26+$0x20]  }
0x2c: {  	v18 =	vld [tilespmem:s26+$0x10]  }
0x2d: {  	v19 =	vld [tilespmem:s26+$0x0]  }
0x2e: {  	v20 =	vld [tilespmem:s26+$0xFFFFFFB0]  }
0x2f: {  	s28 =	simm.s32 $0x0;
	v21 =	vld [tilespmem:s26+$0xFFFFFFA0]  }
0x30: {  	v24 =	vadd.s32 s28, v1;
	v23 =	vld [tilespmem:s26+$0xFFFFFF00]  }
0x31: {  	v26 =	vadd.s32 s28, v2;
	v25 =	vld [tilespmem:s26+$0xFFFFFF10]  }
0x32: {  	v28 =	vadd.s32 s28, v3;
	v27 =	vld [tilespmem:s26+$0xFFFFFF20]  }
0x33: {  	s29 =	simm.s32 $0x1;
	v30 =	vadd.s32 s28, v4;
	v29 =	vld [tilespmem:s26+$0xFFFFFF30]  }
0x34: {  	v32 =	vadd.s32 s29, v1;
	v31 =	vld [tilespmem:s26+$0xFFFFFF80]  }
0x35: {  	v33 =	vadd.s32 s29, v2;
	v22 =	vld [tilespmem:s26+$0xFFFFFF90];
	[tilespmem:v24+s16+$0x0] =	vst.idx.msk $0xffff, v23  }
0x36: {  	v55 =	vadd.s32 s29, v3;
	[tilespmem:v26+s16+$0x0] =	vst.idx.msk $0xffff, v25  }
0x37: {  	s30 =	simm.s32 $0x2;
	v56 =	vadd.s32 s29, v4;
	[tilespmem:v28+s16+$0x0] =	vst.idx.msk $0xffff, v27  }
0x38: {  	v57 =	vadd.s32 s30, v1;
	[tilespmem:v30+s16+$0x0] =	vst.idx.msk $0xffff, v29  }
0x39: {  	v58 =	vadd.s32 s30, v2;
	[tilespmem:v32+s16+$0x0] =	vst.idx.msk $0xffff, v31  }
0x3a: {  	v59 =	vadd.s32 s30, v3;
	[tilespmem:v33+s16+$0x0] =	vst.idx.msk $0xffff, v22  }
0x3b: {  	s31 =	simm.s32 $0x3;
	v60 =	vadd.s32 s30, v4;
	[tilespmem:v55+s16+$0x0] =	vst.idx.msk $0xffff, v21  }
0x3c: {  	v61 =	vadd.s32 s31, v1;
	[tilespmem:v56+s16+$0x0] =	vst.idx.msk $0xffff, v20  }
0x3d: {  	v62 =	vadd.s32 s31, v2;
	[tilespmem:v57+s16+$0x0] =	vst.idx.msk $0xffff, v19  }
0x3e: {  	[tilespmem:v58+s16+$0x0] =	vst.idx.msk $0xffff, v18  }
0x3f: {  	[tilespmem:v59+s16+$0x0] =	vst.idx.msk $0xffff, v17  }
0x40: {  	v63 =	vadd.s32 s31, v3;
	[tilespmem:v60+s16+$0x0] =	vst.idx.msk $0xffff, v16  }
0x41: {  	[tilespmem:v61+s16+$0x0] =	vst.idx.msk $0xffff, v15  }
0x42: {  	[tilespmem:v62+s16+$0x0] =	vst.idx.msk $0xffff, v13;
	v13 =	vadd.s32 s31, v4;
	_ =	sdelay $0x2  }
0x43: {  	s25 =	sshll.u32 s24, $0x1;
	s28 =	simm.s32 $0x4;
	[tilespmem:v63+s16+$0x0] =	vst.idx.msk $0xffff, v14  }
.LBB2_3:
0x44: {  	p1 =	seq.s32 s28, $0x7C  }
0x45: {  	[tilespmem:v13+s16+$0x0] =	vst.idx.msk $0xffff, v12;
	s26 =	sadd.s32 $0x200, s26;
	s0 =	smov.u32 s28;
	s28 =	sadd.s32 $0x4, s28  }
0x46: {  	v12 =	vld [tilespmem:s26+$0xB0]  }
0x47: {  	v14 =	vld [tilespmem:s26+$0xA0]  }
0x48: {  	v15 =	vld [tilespmem:s26+$0x90]  }
0x49: {  	v16 =	vld [tilespmem:s26+$0x80]  }
0x4a: {  	v17 =	vld [tilespmem:s26+$0x30]  }
0x4b: {  	v18 =	vld [tilespmem:s26+$0x20]  }
0x4c: {  	v13 =	vld [tilespmem:s26+$0x10]  }
0x4d: {  	v19 =	vld [tilespmem:s26+$0x0]  }
0x4e: {  	v20 =	vld [tilespmem:s26+$0xFFFFFFB0]  }
0x4f: {  	v21 =	vld [tilespmem:s26+$0xFFFFFFA0]  }
0x50: {  	v22 =	vld [tilespmem:s26+$0xFFFFFF90]  }
0x51: {  	v24 =	vadd.s32 s0, v1;
	v23 =	vld [tilespmem:s26+$0xFFFFFF00]  }
0x52: {  	v26 =	vadd.s32 s0, v2;
	v25 =	vld [tilespmem:s26+$0xFFFFFF10]  }
0x53: {  	v28 =	vadd.s32 s0, v3;
	v27 =	vld [tilespmem:s26+$0xFFFFFF20]  }
0x54: {  	v30 =	vadd.s32 s0, v4;
	s29 =	sadd.s32 $0x1, s0;
	v29 =	vld [tilespmem:s26+$0xFFFFFF30]  }
0x55: {  	v32 =	vadd.s32 s29, v1;
	v31 =	vld [tilespmem:s26+$0xFFFFFF80]  }
0x56: {  	v33 =	vadd.s32 s29, v2;
	[tilespmem:v24+s16+$0x0] =	vst.idx.msk $0xffff, v23  }
0x57: {  	v23 =	vadd.s32 s29, v3;
	[tilespmem:v26+s16+$0x0] =	vst.idx.msk $0xffff, v25  }
0x58: {  	v24 =	vadd.s32 s29, v4;
	s29 =	sadd.s32 $0x2, s0;
	[tilespmem:v28+s16+$0x0] =	vst.idx.msk $0xffff, v27  }
0x59: {  	v25 =	vadd.s32 s29, v1;
	[tilespmem:v30+s16+$0x0] =	vst.idx.msk $0xffff, v29  }
0x5a: {  	v26 =	vadd.s32 s29, v2;
	[tilespmem:v32+s16+$0x0] =	vst.idx.msk $0xffff, v31  }
0x5b: {  	v27 =	vadd.s32 s29, v3;
	[tilespmem:v33+s16+$0x0] =	vst.idx.msk $0xffff, v22  }
0x5c: {  	s0 =	sadd.s32 $0x3, s0;
	v22 =	vadd.s32 s29, v4;
	[tilespmem:v23+s16+$0x0] =	vst.idx.msk $0xffff, v21  }
0x5d: {  	v21 =	vadd.s32 s0, v1;
	[tilespmem:v24+s16+$0x0] =	vst.idx.msk $0xffff, v20  }
0x5e: {  	v20 =	vadd.s32 s0, v2;
	[tilespmem:v25+s16+$0x0] =	vst.idx.msk $0xffff, v19  }
0x5f: {  	v19 =	vadd.s32 s0, v3;
	[tilespmem:v26+s16+$0x0] =	vst.idx.msk $0xffff, v13  }
.Ltmp2:
0x60: {  	v13 =	vadd.s32 s0, v4;
	[tilespmem:v27+s16+$0x0] =	vst.idx.msk $0xffff, v18;
	(pc) =	sbr.rel @!p1 .LBB2_3-.Ltmp2, $4  }
0x61: {  	[tilespmem:v22+s16+$0x0] =	vst.idx.msk $0xffff, v17  }
0x62: {  	[tilespmem:v21+s16+$0x0] =	vst.idx.msk $0xffff, v16  }
0x63: {  	[tilespmem:v20+s16+$0x0] =	vst.idx.msk $0xffff, v15  }
0x64: {  	[tilespmem:v19+s16+$0x0] =	vst.idx.msk $0xffff, v14  }
0x65: {  	s28 =	simm.s32 $0x0  }
0x66: {  	v15 =	vadd.s32 s28, v0  }
0x67: {  	v16 =	vadd.s32 s28, v5  }
0x68: {  	v17 =	vadd.s32 s28, v6  }
0x69: {  	v18 =	vadd.s32 s28, v7  }
0x6a: {  	[tilespmem:v13+s16+$0x0] =	vst.idx.msk $0xffff, v12;
	v20 =	vadd.s32 s28, v8  }
0x6b: {  	s29 =	simm.s32 $0x1;
	v21 =	vadd.s32 s28, v9;
	v15 =	vld.idx.msk [tilespmem:v15+s16+$0x0], $0xffff  }
0x6c: {  	s0 =	sshll.u32 s25, $0x7;
	v19 =	vmov s29;
	v22 =	vadd.s32 s28, v10;
	v16 =	vld.idx.msk [tilespmem:v16+s16+$0x0], $0xffff  }
0x6d: {  	v12 =	vmov s0;
	s0 =	simm.s32 $0x81;
	v23 =	vadd.s32 s28, v11;
	v19 =	vand.u32 $0x7F, v19;
	v17 =	vld.idx.msk [tilespmem:v17+s16+$0x0], $0xffff  }
0x6e: {  	v13 =	vadd.s32 s0, v11;
	v19 =	vor.u32 v12, v19;
	v18 =	vld.idx.msk [tilespmem:v18+s16+$0x0], $0xffff  }
0x6f: {  	v26 =	vmov s28;
	v14 =	vadd.s32 s0, v9;
	v19 =	vbroadcast v19, $0x0;
	v20 =	vld.idx.msk [tilespmem:v20+s16+$0x0], $0xffff  }
0x70: {  	v26 =	vand.u32 $0x7E, v26;
	v21 =	vld.idx.msk [tilespmem:v21+s16+$0x0], $0xffff  }
0x71: {  	v24 =	vadd.s32 s0, v0;
	v26 =	vor.u32 v12, v26;
	v22 =	vld.idx.msk [tilespmem:v22+s16+$0x0], $0xffff  }
0x72: {  	v25 =	vadd.s32 s0, v5;
	v26 =	vbroadcast v26, $0x0;
	v23 =	vld.idx.msk [tilespmem:v23+s16+$0x0], $0xffff  }
0x73: {  	v13 =	vld.idx.msk [tilespmem:v13+s16+$0x0], $0xffff  }
0x74: {  	v27 =	vadd.s32 s0, v6;
	v14 =	vld.idx.msk [tilespmem:v14+s16+$0x0], $0xffff  }
0x75: {  	v28 =	vadd.s32 s0, v7;
	v19 =	vld.idx.msk [tilespmem:v19+s10+$0x0], $0xffff  }
0x76: {  	v29 =	vadd.s32 s0, v8;
	v24 =	vld.idx.msk [tilespmem:v24+s16+$0x0], $0xffff  }
0x77: {  	v30 =	vadd.s32 s0, v10;
	v25 =	vld.idx.msk [tilespmem:v25+s16+$0x0], $0xffff  }
0x78: {  	v26 =	vld.idx.msk [tilespmem:v26+s10+$0x0], $0xffff  }
0x79: {  	v27 =	vld.idx.msk [tilespmem:v27+s16+$0x0], $0xffff  }
0x7a: {  	v28 =	vld.idx.msk [tilespmem:v28+s16+$0x0], $0xffff;
	v13 =	vadd.f32 v13, v19  }
0x7b: {  	s26 =	simm.s32 $0x8480;
	v29 =	vld.idx.msk [tilespmem:v29+s16+$0x0], $0xffff;
	v14 =	vadd.f32 v14, v19  }
0x7c: {  	v30 =	vld.idx.msk [tilespmem:v30+s16+$0x0], $0xffff;
	v24 =	vadd.f32 v24, v19;
	[tilespmem:s26+$0x70] =	vst v13  }
0x7d: {  	v15 =	vadd.f32 v15, v26;
	[tilespmem:s26+$0x50] =	vst v14  }
0x7e: {  	v13 =	vadd.f32 v25, v19;
	[tilespmem:s26+$0x0] =	vst v24  }
0x7f: {  	v14 =	vadd.f32 v27, v19;
	[tilespmem:s26+$0xFFFFFF80] =	vst v15  }
0x80: {  	v15 =	vadd.f32 v18, v26;
	[tilespmem:s26+$0x10] =	vst v13  }
0x81: {  	v18 =	vadd.f32 v23, v26;
	[tilespmem:s26+$0x20] =	vst v14  }
0x82: {  	v14 =	vadd.f32 v29, v19;
	[tilespmem:s26+$0xFFFFFFB0] =	vst v15  }
0x83: {  	v13 =	vadd.f32 v28, v19;
	[tilespmem:s26+$0xFFFFFFF0] =	vst v18  }
0x84: {  	[tilespmem:s26+$0x40] =	vst v14;
	v14 =	vadd.f32 v16, v26  }
0x85: {  	[tilespmem:s26+$0x30] =	vst v13;
	v13 =	vadd.f32 v30, v19  }
0x86: {  	s31 =	simm.s32 $0x183;
	[tilespmem:s26+$0xFFFFFF90] =	vst v14;
	v14 =	vadd.f32 v20, v26  }
0x87: {  	v16 =	vadd.s32 s31, v11;
	[tilespmem:s26+$0x60] =	vst v13;
	v13 =	vadd.f32 v17, v26  }
0x88: {  	s28 =	simm.s32 $0x102;
	v15 =	vadd.f32 v22, v26;
	[tilespmem:s26+$0xFFFFFFC0] =	vst v14;
	v14 =	vadd.s32 s31, v9  }
0x89: {  	v17 =	vadd.s32 s28, v0;
	[tilespmem:s26+$0xFFFFFFA0] =	vst v13;
	v13 =	vadd.f32 v21, v26  }
0x8a: {  	[tilespmem:s26+$0xFFFFFFE0] =	vst v15;
	v15 =	vadd.s32 s28, v5  }
0x8b: {  	s30 =	simm.s32 $0x4;
	s29 =	simm.s32 $0x2;
	s0 =	simm.s32 $0x3;
	[tilespmem:s26+$0xFFFFFFD0] =	vst v13;
	v13 =	vadd.s32 s28, v6  }
.LBB2_5:
0x8c: {  	p1 =	sne.s32 s30, $0x3E;
	v18 =	vadd.s32 s28, v7;
	v19 =	vmov s0;
	v16 =	vld.idx.msk [tilespmem:v16+s16+$0x0], $0xffff  }
0x8d: {  	v20 =	vadd.s32 s28, v8;
	v19 =	vand.u32 $0x7F, v19;
	v14 =	vld.idx.msk [tilespmem:v14+s16+$0x0], $0xffff  }
0x8e: {  	v21 =	vadd.s32 s28, v9;
	v17 =	vld.idx.msk [tilespmem:v17+s16+$0x0], $0xffff;
	v19 =	vor.u32 v12, v19  }
0x8f: {  	v22 =	vadd.s32 s28, v10;
	v15 =	vld.idx.msk [tilespmem:v15+s16+$0x0], $0xffff;
	v19 =	vbroadcast v19, $0x0  }
0x90: {  	v13 =	vld.idx.msk [tilespmem:v13+s16+$0x0], $0xffff  }
0x91: {  	v23 =	vadd.s32 s28, v11;
	v18 =	vld.idx.msk [tilespmem:v18+s16+$0x0], $0xffff  }
0x92: {  	v24 =	vadd.s32 s31, v0;
	v20 =	vld.idx.msk [tilespmem:v20+s16+$0x0], $0xffff  }
0x93: {  	v25 =	vadd.s32 s31, v5;
	v21 =	vld.idx.msk [tilespmem:v21+s16+$0x0], $0xffff  }
0x94: {  	v26 =	vmov s29;
	v27 =	vadd.s32 s31, v6;
	s29 =	smov.u32 s30;
	v22 =	vld.idx.msk [tilespmem:v22+s16+$0x0], $0xffff  }
0x95: {  	v28 =	vadd.s32 s31, v7;
	v26 =	vand.u32 $0x7E, v26;
	v19 =	vld.idx.msk [tilespmem:v19+s10+$0x0], $0xffff  }
0x96: {  	v29 =	vadd.s32 s31, v8;
	v26 =	vor.u32 v12, v26;
	v23 =	vld.idx.msk [tilespmem:v23+s16+$0x0], $0xffff  }
0x97: {  	v30 =	vadd.s32 s31, v10;
	v26 =	vbroadcast v26, $0x0;
	v24 =	vld.idx.msk [tilespmem:v24+s16+$0x0], $0xffff  }
0x98: {  	v25 =	vld.idx.msk [tilespmem:v25+s16+$0x0], $0xffff  }
0x99: {  	v27 =	vld.idx.msk [tilespmem:v27+s16+$0x0], $0xffff  }
0x9a: {  	v28 =	vld.idx.msk [tilespmem:v28+s16+$0x0], $0xffff  }
0x9b: {  	v14 =	vadd.f32 v14, v19;
	v16 =	vadd.f32 v16, v19;
	v29 =	vld.idx.msk [tilespmem:v29+s16+$0x0], $0xffff  }
0x9c: {  	s26 =	sadd.s32 $0x100, s26;
	v30 =	vld.idx.msk [tilespmem:v30+s16+$0x0], $0xffff  }
0x9d: {  	v24 =	vadd.f32 v24, v19;
	v26 =	vld.idx.msk [tilespmem:v26+s10+$0x0], $0xffff;
	[tilespmem:s26+$0x70] =	vst v16  }
0x9e: {  	v16 =	vadd.f32 v25, v19;
	[tilespmem:s26+$0x50] =	vst v14  }
0x9f: {  	v14 =	vadd.f32 v27, v19;
	[tilespmem:s26+$0x0] =	vst v24  }
0xa0: {  	[tilespmem:s26+$0x10] =	vst v16;
	v16 =	vadd.f32 v28, v19  }
0xa1: {  	[tilespmem:s26+$0x20] =	vst v14;
	v14 =	vadd.f32 v29, v19  }
0xa2: {  	[tilespmem:s26+$0x30] =	vst v16;
	v16 =	vadd.f32 v30, v19  }
0xa3: {  	v17 =	vadd.f32 v17, v26;
	v15 =	vadd.f32 v15, v26;
	[tilespmem:s26+$0x40] =	vst v14  }
0xa4: {  	v13 =	vadd.f32 v13, v26;
	v14 =	vadd.f32 v18, v26;
	[tilespmem:s26+$0x60] =	vst v16  }
0xa5: {  	v18 =	vadd.f32 v21, v26;
	[tilespmem:s26+$0xFFFFFF80] =	vst v17;
	v17 =	vadd.f32 v20, v26  }
0xa6: {  	s28 =	sadd.s32 $0x102, s28;
	v19 =	vadd.f32 v22, v26;
	v20 =	vadd.f32 v23, v26;
	[tilespmem:s26+$0xFFFFFF90] =	vst v15  }
0xa7: {  	s31 =	sadd.s32 $0x81, s28;
	[tilespmem:s26+$0xFFFFFFA0] =	vst v13  }
.Ltmp3:
0xa8: {  	v16 =	vadd.s32 s31, v11;
	[tilespmem:s26+$0xFFFFFFB0] =	vst v14;
	(pc) =	sbr.rel @p1 .LBB2_5-.Ltmp3, $4  }
0xa9: {  	v14 =	vadd.s32 s31, v9;
	[tilespmem:s26+$0xFFFFFFC0] =	vst v17  }
0xaa: {  	v17 =	vadd.s32 s28, v0;
	[tilespmem:s26+$0xFFFFFFD0] =	vst v18  }
0xab: {  	v15 =	vadd.s32 s28, v5;
	[tilespmem:s26+$0xFFFFFFE0] =	vst v19  }
0xac: {  	s30 =	sadd.s32 $0x2, s30;
	s0 =	sadd.s32 $0x1, s29;
	v13 =	vadd.s32 s28, v6;
	[tilespmem:s26+$0xFFFFFFF0] =	vst v20  }
0xad: {  	_ =	sdelay $0x3  }
0xae: {  	v18 =	vadd.s32 s28, v7;
	v16 =	vld.idx.msk [tilespmem:v16+s16+$0x0], $0xffff  }
0xaf: {  	v19 =	vmov s0;
	v20 =	vadd.s32 s28, v8;
	v14 =	vld.idx.msk [tilespmem:v14+s16+$0x0], $0xffff  }
0xb0: {  	v17 =	vld.idx.msk [tilespmem:v17+s16+$0x0], $0xffff;
	v21 =	vadd.s32 s28, v9;
	v19 =	vand.u32 $0x7F, v19  }
0xb1: {  	v15 =	vld.idx.msk [tilespmem:v15+s16+$0x0], $0xffff;
	v22 =	vadd.s32 s28, v10;
	v19 =	vor.u32 v12, v19  }
0xb2: {  	v13 =	vld.idx.msk [tilespmem:v13+s16+$0x0], $0xffff;
	v23 =	vadd.s32 s28, v11;
	v19 =	vbroadcast v19, $0x0  }
0xb3: {  	v18 =	vld.idx.msk [tilespmem:v18+s16+$0x0], $0xffff  }
0xb4: {  	v24 =	vadd.s32 s31, v0;
	v20 =	vld.idx.msk [tilespmem:v20+s16+$0x0], $0xffff  }
0xb5: {  	v25 =	vadd.s32 s31, v5;
	v21 =	vld.idx.msk [tilespmem:v21+s16+$0x0], $0xffff  }
0xb6: {  	v26 =	vmov s29;
	v27 =	vadd.s32 s31, v6;
	v22 =	vld.idx.msk [tilespmem:v22+s16+$0x0], $0xffff  }
0xb7: {  	v28 =	vadd.s32 s31, v7;
	v26 =	vand.u32 $0x7E, v26;
	v23 =	vld.idx.msk [tilespmem:v23+s16+$0x0], $0xffff  }
0xb8: {  	v53 =	vadd.s32 s31, v8;
	v52 =	vor.u32 v12, v26;
	v19 =	vld.idx.msk [tilespmem:v19+s10+$0x0], $0xffff  }
0xb9: {  	v29 =	vadd.s32 s31, v10;
	v12 =	vbroadcast v52, $0x0;
	v24 =	vld.idx.msk [tilespmem:v24+s16+$0x0], $0xffff  }
0xba: {  	v25 =	vld.idx.msk [tilespmem:v25+s16+$0x0], $0xffff  }
0xbb: {  	v27 =	vld.idx.msk [tilespmem:v27+s16+$0x0], $0xffff  }
0xbc: {  	v28 =	vld.idx.msk [tilespmem:v28+s16+$0x0], $0xffff  }
0xbd: {  	v26 =	vld.idx.msk [tilespmem:v53+s16+$0x0], $0xffff;
	v16 =	vadd.f32 v16, v19  }
0xbe: {  	s29 =	sadd.s32 $0x100, s26;
	v29 =	vld.idx.msk [tilespmem:v29+s16+$0x0], $0xffff;
	v14 =	vadd.f32 v14, v19  }
0xbf: {  	v12 =	vld.idx.msk [tilespmem:v12+s10+$0x0], $0xffff;
	v24 =	vadd.f32 v24, v19;
	[tilespmem:s29+$0x70] =	vst v16  }
0xc0: {  	v54 =	vadd.f32 v25, v19;
	[tilespmem:s29+$0x50] =	vst v14  }
0xc1: {  	v55 =	vadd.f32 v27, v19;
	[tilespmem:s29+$0x0] =	vst v24  }
0xc2: {  	v56 =	vadd.f32 v28, v19;
	[tilespmem:s29+$0x10] =	vst v54  }
0xc3: {  	v57 =	vadd.f32 v26, v19;
	[tilespmem:s29+$0x20] =	vst v55  }
0xc4: {  	v58 =	vadd.f32 v29, v19;
	[tilespmem:s29+$0x30] =	vst v56  }
0xc5: {  	v17 =	vadd.f32 v17, v12;
	[tilespmem:s29+$0x40] =	vst v57  }
0xc6: {  	v59 =	vadd.f32 v15, v12;
	[tilespmem:s29+$0x60] =	vst v58  }
0xc7: {  	v13 =	vadd.f32 v13, v12;
	[tilespmem:s29+$0xFFFFFF80] =	vst v17  }
0xc8: {  	s30 =	sshll.u32 s24, $0x13;
	v60 =	vadd.f32 v18, v12;
	[tilespmem:s29+$0xFFFFFF90] =	vst v59  }
0xc9: {  	s26 =	sor.u32 s5, s30;
	v61 =	vadd.f32 v20, v12;
	[tilespmem:s29+$0xFFFFFFA0] =	vst v13  }
0xca: {  	s0 =	sadd.s32 $0x2, s25;
	s26 =	sshrl.u32 s26, $0x3;
	v62 =	vadd.f32 v21, v12;
	[tilespmem:s29+$0xFFFFFFB0] =	vst v60  }
0xcb: {  	p1 =	seq.s32 s24, $0x63;
	s31 =	sadd.s32 s3, s26;
	s26 =	sand.u32 $0x6, s0;
	v63 =	vadd.f32 v22, v12;
	[tilespmem:s29+$0xFFFFFFC0] =	vst v61  }
0xcc: {  	p2 =	sne.s32 @!p1 s26, $0x0;
	v12 =	vadd.f32 v23, v12;
	[tilespmem:s29+$0xFFFFFFD0] =	vst v62  }
0xcd: {  	p2 =	por p1, p2;
	[tilespmem:s29+$0xFFFFFFE0] =	vst v63  }
.Ltmp4:
0xce: {  	[tilespmem:s29+$0xFFFFFFF0] =	vst v12;
	(pc) =	sbr.rel @p2 .LBB2_8-.Ltmp4, $4  }
0xcf: {  	[hbm4b:s31+s13] =	stream.strided.scatter [tilespmem:s18], [sflag:$0x3], $0x2000, s17, s13, $0x38;
	[tilespmem:$0x14880] =	vst v63  }
0xd0: {  	_ =	swait.ge [sflag:s19], $0x4000  }
0xd1: {  	[sflag:s19] =	ssyncset.done $0x0  }
0xd2: {  	[sflag:s19] =	ssyncadd.s32 $0xFFFFC000  }
0xd3: {  	s0 =	sshll.u32 s0, $0xC  }
0xd4: {  	s0 =	sor.u32 s5, s0  }
0xd5: {  	s0 =	sshrl.u32 s0, $0x3  }
0xd6: {  	s0 =	sadd.s32 s1, s0  }
0xd7: {  	[tilespmem:s4], [sflag:$0x5] =	stream.linear.gather [hbm4b:s0+s4], $0x400, $0x38;
	[tilespmem:$0x14880] =	vst v63  }
0xd8: {  	_ =	swait.ge [sflag:s11], $0x400  }
0xd9: {  	[sflag:s11] =	ssyncset.done $0x0  }
0xda: {  	[sflag:s11] =	ssyncadd.s32 $0xFFFFFC00  }
.LBB2_9:
.Ltmp5:
0xdb: {  	(pc) =	sbr.rel @p0 .LBB2_16-.Ltmp5, $4  }
.Ltmp6:
0xdc: {  	(pc) =	sbr.rel @!p0 .LBB2_10-.Ltmp6, $4  }
0xdd: {  	_ = 	snop  }
0xde: {  	s0 =	sshll.u32 s26, $0x7  }
0xdf: {  	[tilespmem:s13], [sflag:$0x1] =	stream.indirect.gather [hbm4b:s6+s12], $0x80, s0, s12, $0xb8;
	[tilespmem:$0x14880] =	vst v63  }
0xe0: {  	_ = 	snop  }
.LBB2_8:
.Ltmp7:
0xe1: {  	(pc) =	sbr.rel @!p1 .LBB2_9-.Ltmp7, $1  }
0xe2: {  	_ =	sdelay $0x3  }
.LBB2_16:
0xe3: {  	_ =	swait.ge [sflag:s22], $0x2000  }
0xe4: {  	[sflag:s22] =	ssyncset.done $0x0  }
0xe5: {  	[sflag:s22] =	ssyncadd.s32 $0xFFFFE000  }
.LBB2_10:
0xe6: {  	s26 =	simm.s32 $0x4500  }
0xe7: {  	v12 =	vld [tilespmem:s26+$0xB0]  }
0xe8: {  	v14 =	vld [tilespmem:s26+$0xA0]  }
0xe9: {  	v13 =	vld [tilespmem:s26+$0x90]  }
0xea: {  	v15 =	vld [tilespmem:s26+$0x80]  }
0xeb: {  	v16 =	vld [tilespmem:s26+$0x30]  }
0xec: {  	v17 =	vld [tilespmem:s26+$0x20]  }
0xed: {  	v18 =	vld [tilespmem:s26+$0x10]  }
0xee: {  	v19 =	vld [tilespmem:s26+$0x0]  }
0xef: {  	v20 =	vld [tilespmem:s26+$0xFFFFFFB0]  }
0xf0: {  	s28 =	simm.s32 $0x0;
	v21 =	vld [tilespmem:s26+$0xFFFFFFA0]  }
0xf1: {  	v23 =	vld [tilespmem:s26+$0xFFFFFF00];
	v24 =	vadd.s32 s28, v1  }
0xf2: {  	v25 =	vld [tilespmem:s26+$0xFFFFFF10];
	v26 =	vadd.s32 s28, v2  }
0xf3: {  	v27 =	vld [tilespmem:s26+$0xFFFFFF20];
	v28 =	vadd.s32 s28, v3  }
0xf4: {  	s0 =	simm.s32 $0x1;
	v29 =	vld [tilespmem:s26+$0xFFFFFF30];
	v30 =	vadd.s32 s28, v4  }
0xf5: {  	v31 =	vld [tilespmem:s26+$0xFFFFFF80];
	v32 =	vadd.s32 s0, v1  }
0xf6: {  	v22 =	vld [tilespmem:s26+$0xFFFFFF90];
	v33 =	vadd.s32 s0, v2;
	[tilespmem:v24+s16+$0x0] =	vst.idx.msk $0xffff, v23  }
0xf7: {  	v55 =	vadd.s32 s0, v3;
	[tilespmem:v26+s16+$0x0] =	vst.idx.msk $0xffff, v25  }
0xf8: {  	s30 =	simm.s32 $0x2;
	v56 =	vadd.s32 s0, v4;
	[tilespmem:v28+s16+$0x0] =	vst.idx.msk $0xffff, v27  }
0xf9: {  	v57 =	vadd.s32 s30, v1;
	[tilespmem:v30+s16+$0x0] =	vst.idx.msk $0xffff, v29  }
0xfa: {  	v58 =	vadd.s32 s30, v2;
	[tilespmem:v32+s16+$0x0] =	vst.idx.msk $0xffff, v31  }
0xfb: {  	v59 =	vadd.s32 s30, v3;
	[tilespmem:v33+s16+$0x0] =	vst.idx.msk $0xffff, v22  }
0xfc: {  	s31 =	simm.s32 $0x3;
	v60 =	vadd.s32 s30, v4;
	[tilespmem:v55+s16+$0x0] =	vst.idx.msk $0xffff, v21  }
0xfd: {  	v61 =	vadd.s32 s31, v1;
	[tilespmem:v56+s16+$0x0] =	vst.idx.msk $0xffff, v20  }
0xfe: {  	v62 =	vadd.s32 s31, v2;
	[tilespmem:v57+s16+$0x0] =	vst.idx.msk $0xffff, v19  }
0xff: {  	[tilespmem:v58+s16+$0x0] =	vst.idx.msk $0xffff, v18  }
0x100: {  	[tilespmem:v59+s16+$0x0] =	vst.idx.msk $0xffff, v17  }
0x101: {  	v63 =	vadd.s32 s31, v3;
	[tilespmem:v60+s16+$0x0] =	vst.idx.msk $0xffff, v16  }
0x102: {  	[tilespmem:v61+s16+$0x0] =	vst.idx.msk $0xffff, v15  }
0x103: {  	[tilespmem:v62+s16+$0x0] =	vst.idx.msk $0xffff, v13;
	v13 =	vadd.s32 s31, v4;
	_ =	sdelay $0x2  }
0x104: {  	s28 =	simm.s32 $0x4;
	[tilespmem:v63+s16+$0x0] =	vst.idx.msk $0xffff, v14  }
.LBB2_11:
0x105: {  	p0 =	seq.s32 s28, $0x7C  }
0x106: {  	[tilespmem:v13+s16+$0x0] =	vst.idx.msk $0xffff, v12;
	s26 =	sadd.s32 $0x200, s26;
	s0 =	smov.u32 s28;
	s28 =	sadd.s32 $0x4, s28  }
0x107: {  	v12 =	vld [tilespmem:s26+$0xB0]  }
0x108: {  	v14 =	vld [tilespmem:s26+$0xA0]  }
0x109: {  	v15 =	vld [tilespmem:s26+$0x90]  }
0x10a: {  	v16 =	vld [tilespmem:s26+$0x80]  }
0x10b: {  	v17 =	vld [tilespmem:s26+$0x30]  }
0x10c: {  	v18 =	vld [tilespmem:s26+$0x20]  }
0x10d: {  	v13 =	vld [tilespmem:s26+$0x10]  }
0x10e: {  	v19 =	vld [tilespmem:s26+$0x0]  }
0x10f: {  	v20 =	vld [tilespmem:s26+$0xFFFFFFB0]  }
0x110: {  	v21 =	vld [tilespmem:s26+$0xFFFFFFA0]  }
0x111: {  	v22 =	vld [tilespmem:s26+$0xFFFFFF90]  }
0x112: {  	v24 =	vadd.s32 s0, v1;
	v23 =	vld [tilespmem:s26+$0xFFFFFF00]  }
0x113: {  	v26 =	vadd.s32 s0, v2;
	v25 =	vld [tilespmem:s26+$0xFFFFFF10]  }
0x114: {  	v28 =	vadd.s32 s0, v3;
	v27 =	vld [tilespmem:s26+$0xFFFFFF20]  }
0x115: {  	v30 =	vadd.s32 s0, v4;
	s29 =	sadd.s32 $0x1, s0;
	v29 =	vld [tilespmem:s26+$0xFFFFFF30]  }
0x116: {  	v32 =	vadd.s32 s29, v1;
	v31 =	vld [tilespmem:s26+$0xFFFFFF80]  }
0x117: {  	v33 =	vadd.s32 s29, v2;
	[tilespmem:v24+s16+$0x0] =	vst.idx.msk $0xffff, v23  }
0x118: {  	v23 =	vadd.s32 s29, v3;
	[tilespmem:v26+s16+$0x0] =	vst.idx.msk $0xffff, v25  }
0x119: {  	v24 =	vadd.s32 s29, v4;
	s29 =	sadd.s32 $0x2, s0;
	[tilespmem:v28+s16+$0x0] =	vst.idx.msk $0xffff, v27  }
0x11a: {  	v25 =	vadd.s32 s29, v1;
	[tilespmem:v30+s16+$0x0] =	vst.idx.msk $0xffff, v29  }
0x11b: {  	v26 =	vadd.s32 s29, v2;
	[tilespmem:v32+s16+$0x0] =	vst.idx.msk $0xffff, v31  }
0x11c: {  	v27 =	vadd.s32 s29, v3;
	[tilespmem:v33+s16+$0x0] =	vst.idx.msk $0xffff, v22  }
0x11d: {  	s0 =	sadd.s32 $0x3, s0;
	v22 =	vadd.s32 s29, v4;
	[tilespmem:v23+s16+$0x0] =	vst.idx.msk $0xffff, v21  }
0x11e: {  	v21 =	vadd.s32 s0, v1;
	[tilespmem:v24+s16+$0x0] =	vst.idx.msk $0xffff, v20  }
0x11f: {  	v20 =	vadd.s32 s0, v2;
	[tilespmem:v25+s16+$0x0] =	vst.idx.msk $0xffff, v19  }
0x120: {  	v19 =	vadd.s32 s0, v3;
	[tilespmem:v26+s16+$0x0] =	vst.idx.msk $0xffff, v13  }
.Ltmp8:
0x121: {  	v13 =	vadd.s32 s0, v4;
	[tilespmem:v27+s16+$0x0] =	vst.idx.msk $0xffff, v18;
	(pc) =	sbr.rel @!p0 .LBB2_11-.Ltmp8, $4  }
0x122: {  	[tilespmem:v22+s16+$0x0] =	vst.idx.msk $0xffff, v17  }
0x123: {  	[tilespmem:v21+s16+$0x0] =	vst.idx.msk $0xffff, v16  }
0x124: {  	[tilespmem:v20+s16+$0x0] =	vst.idx.msk $0xffff, v15  }
0x125: {  	[tilespmem:v19+s16+$0x0] =	vst.idx.msk $0xffff, v14  }
0x126: {  	s28 =	simm.s32 $0x0  }
0x127: {  	v15 =	vadd.s32 s28, v0  }
0x128: {  	v16 =	vadd.s32 s28, v5  }
0x129: {  	v17 =	vadd.s32 s28, v6  }
0x12a: {  	v18 =	vadd.s32 s28, v7  }
0x12b: {  	[tilespmem:v13+s16+$0x0] =	vst.idx.msk $0xffff, v12;
	v20 =	vadd.s32 s28, v8  }
0x12c: {  	s25 =	sor.u32 $0x1, s25;
	s29 =	simm.s32 $0x1;
	v21 =	vadd.s32 s28, v9;
	v15 =	vld.idx.msk [tilespmem:v15+s16+$0x0], $0xffff  }
0x12d: {  	s0 =	sshll.u32 s25, $0x7;
	v19 =	vmov s29;
	v22 =	vadd.s32 s28, v10;
	v16 =	vld.idx.msk [tilespmem:v16+s16+$0x0], $0xffff  }
0x12e: {  	v23 =	vadd.s32 s28, v11;
	v12 =	vmov s0;
	s0 =	simm.s32 $0x81;
	v19 =	vand.u32 $0x7F, v19;
	v17 =	vld.idx.msk [tilespmem:v17+s16+$0x0], $0xffff  }
0x12f: {  	v13 =	vadd.s32 s0, v11;
	v19 =	vor.u32 v12, v19;
	v18 =	vld.idx.msk [tilespmem:v18+s16+$0x0], $0xffff  }
0x130: {  	v26 =	vmov s28;
	v14 =	vadd.s32 s0, v9;
	v19 =	vbroadcast v19, $0x0;
	v20 =	vld.idx.msk [tilespmem:v20+s16+$0x0], $0xffff  }
0x131: {  	v26 =	vand.u32 $0x7E, v26;
	v21 =	vld.idx.msk [tilespmem:v21+s16+$0x0], $0xffff  }
0x132: {  	v24 =	vadd.s32 s0, v0;
	v26 =	vor.u32 v12, v26;
	v22 =	vld.idx.msk [tilespmem:v22+s16+$0x0], $0xffff  }
0x133: {  	v25 =	vadd.s32 s0, v5;
	v26 =	vbroadcast v26, $0x0;
	v23 =	vld.idx.msk [tilespmem:v23+s16+$0x0], $0xffff  }
0x134: {  	v13 =	vld.idx.msk [tilespmem:v13+s16+$0x0], $0xffff  }
0x135: {  	v27 =	vadd.s32 s0, v6;
	v14 =	vld.idx.msk [tilespmem:v14+s16+$0x0], $0xffff  }
0x136: {  	v28 =	vadd.s32 s0, v7;
	v19 =	vld.idx.msk [tilespmem:v19+s10+$0x0], $0xffff  }
0x137: {  	v29 =	vadd.s32 s0, v8;
	v24 =	vld.idx.msk [tilespmem:v24+s16+$0x0], $0xffff  }
0x138: {  	v30 =	vadd.s32 s0, v10;
	v25 =	vld.idx.msk [tilespmem:v25+s16+$0x0], $0xffff  }
0x139: {  	v26 =	vld.idx.msk [tilespmem:v26+s10+$0x0], $0xffff  }
0x13a: {  	v27 =	vld.idx.msk [tilespmem:v27+s16+$0x0], $0xffff  }
0x13b: {  	v28 =	vld.idx.msk [tilespmem:v28+s16+$0x0], $0xffff;
	v13 =	vadd.f32 v13, v19  }
0x13c: {  	s26 =	simm.s32 $0xA480;
	v29 =	vld.idx.msk [tilespmem:v29+s16+$0x0], $0xffff;
	v14 =	vadd.f32 v14, v19  }
0x13d: {  	v30 =	vld.idx.msk [tilespmem:v30+s16+$0x0], $0xffff;
	v24 =	vadd.f32 v24, v19;
	[tilespmem:s26+$0x70] =	vst v13  }
0x13e: {  	v15 =	vadd.f32 v15, v26;
	[tilespmem:s26+$0x50] =	vst v14  }
0x13f: {  	v13 =	vadd.f32 v25, v19;
	[tilespmem:s26+$0x0] =	vst v24  }
0x140: {  	v14 =	vadd.f32 v27, v19;
	[tilespmem:s26+$0xFFFFFF80] =	vst v15  }
0x141: {  	v15 =	vadd.f32 v18, v26;
	[tilespmem:s26+$0x10] =	vst v13  }
0x142: {  	v18 =	vadd.f32 v23, v26;
	[tilespmem:s26+$0x20] =	vst v14  }
0x143: {  	v14 =	vadd.f32 v29, v19;
	[tilespmem:s26+$0xFFFFFFB0] =	vst v15  }
0x144: {  	v13 =	vadd.f32 v28, v19;
	[tilespmem:s26+$0xFFFFFFF0] =	vst v18  }
0x145: {  	[tilespmem:s26+$0x40] =	vst v14;
	v14 =	vadd.f32 v16, v26  }
0x146: {  	[tilespmem:s26+$0x30] =	vst v13;
	v13 =	vadd.f32 v30, v19  }
0x147: {  	s31 =	simm.s32 $0x183;
	[tilespmem:s26+$0xFFFFFF90] =	vst v14;
	v14 =	vadd.f32 v20, v26  }
0x148: {  	v16 =	vadd.s32 s31, v11;
	[tilespmem:s26+$0x60] =	vst v13;
	v13 =	vadd.f32 v17, v26  }
0x149: {  	s28 =	simm.s32 $0x102;
	v15 =	vadd.f32 v22, v26;
	[tilespmem:s26+$0xFFFFFFC0] =	vst v14;
	v14 =	vadd.s32 s31, v9  }
0x14a: {  	v17 =	vadd.s32 s28, v0;
	[tilespmem:s26+$0xFFFFFFA0] =	vst v13;
	v13 =	vadd.f32 v21, v26  }
0x14b: {  	[tilespmem:s26+$0xFFFFFFE0] =	vst v15;
	v15 =	vadd.s32 s28, v5  }
0x14c: {  	s30 =	simm.s32 $0x4;
	s29 =	simm.s32 $0x2;
	s0 =	simm.s32 $0x3;
	[tilespmem:s26+$0xFFFFFFD0] =	vst v13;
	v13 =	vadd.s32 s28, v6  }
.LBB2_13:
0x14d: {  	p0 =	sne.s32 s30, $0x3E;
	v18 =	vadd.s32 s28, v7;
	v19 =	vmov s0;
	v16 =	vld.idx.msk [tilespmem:v16+s16+$0x0], $0xffff  }
0x14e: {  	v20 =	vadd.s32 s28, v8;
	v19 =	vand.u32 $0x7F, v19;
	v14 =	vld.idx.msk [tilespmem:v14+s16+$0x0], $0xffff  }
0x14f: {  	v21 =	vadd.s32 s28, v9;
	v17 =	vld.idx.msk [tilespmem:v17+s16+$0x0], $0xffff;
	v19 =	vor.u32 v12, v19  }
0x150: {  	v22 =	vadd.s32 s28, v10;
	v15 =	vld.idx.msk [tilespmem:v15+s16+$0x0], $0xffff;
	v19 =	vbroadcast v19, $0x0  }
0x151: {  	v13 =	vld.idx.msk [tilespmem:v13+s16+$0x0], $0xffff  }
0x152: {  	v23 =	vadd.s32 s28, v11;
	v18 =	vld.idx.msk [tilespmem:v18+s16+$0x0], $0xffff  }
0x153: {  	v24 =	vadd.s32 s31, v0;
	v20 =	vld.idx.msk [tilespmem:v20+s16+$0x0], $0xffff  }
0x154: {  	v25 =	vadd.s32 s31, v5;
	v21 =	vld.idx.msk [tilespmem:v21+s16+$0x0], $0xffff  }
0x155: {  	v26 =	vmov s29;
	v27 =	vadd.s32 s31, v6;
	s29 =	smov.u32 s30;
	v22 =	vld.idx.msk [tilespmem:v22+s16+$0x0], $0xffff  }
0x156: {  	v28 =	vadd.s32 s31, v7;
	v26 =	vand.u32 $0x7E, v26;
	v19 =	vld.idx.msk [tilespmem:v19+s10+$0x0], $0xffff  }
0x157: {  	v29 =	vadd.s32 s31, v8;
	v26 =	vor.u32 v12, v26;
	v23 =	vld.idx.msk [tilespmem:v23+s16+$0x0], $0xffff  }
0x158: {  	v30 =	vadd.s32 s31, v10;
	v26 =	vbroadcast v26, $0x0;
	v24 =	vld.idx.msk [tilespmem:v24+s16+$0x0], $0xffff  }
0x159: {  	v25 =	vld.idx.msk [tilespmem:v25+s16+$0x0], $0xffff  }
0x15a: {  	v27 =	vld.idx.msk [tilespmem:v27+s16+$0x0], $0xffff  }
0x15b: {  	v28 =	vld.idx.msk [tilespmem:v28+s16+$0x0], $0xffff  }
0x15c: {  	v14 =	vadd.f32 v14, v19;
	v16 =	vadd.f32 v16, v19;
	v29 =	vld.idx.msk [tilespmem:v29+s16+$0x0], $0xffff  }
0x15d: {  	s26 =	sadd.s32 $0x100, s26;
	v30 =	vld.idx.msk [tilespmem:v30+s16+$0x0], $0xffff  }
0x15e: {  	v24 =	vadd.f32 v24, v19;
	v26 =	vld.idx.msk [tilespmem:v26+s10+$0x0], $0xffff;
	[tilespmem:s26+$0x70] =	vst v16  }
0x15f: {  	v16 =	vadd.f32 v25, v19;
	[tilespmem:s26+$0x50] =	vst v14  }
0x160: {  	v14 =	vadd.f32 v27, v19;
	[tilespmem:s26+$0x0] =	vst v24  }
0x161: {  	[tilespmem:s26+$0x10] =	vst v16;
	v16 =	vadd.f32 v28, v19  }
0x162: {  	[tilespmem:s26+$0x20] =	vst v14;
	v14 =	vadd.f32 v29, v19  }
0x163: {  	[tilespmem:s26+$0x30] =	vst v16;
	v16 =	vadd.f32 v30, v19  }
0x164: {  	v17 =	vadd.f32 v17, v26;
	v15 =	vadd.f32 v15, v26;
	[tilespmem:s26+$0x40] =	vst v14  }
0x165: {  	v13 =	vadd.f32 v13, v26;
	v14 =	vadd.f32 v18, v26;
	[tilespmem:s26+$0x60] =	vst v16  }
0x166: {  	v18 =	vadd.f32 v21, v26;
	[tilespmem:s26+$0xFFFFFF80] =	vst v17;
	v17 =	vadd.f32 v20, v26  }
0x167: {  	s28 =	sadd.s32 $0x102, s28;
	v19 =	vadd.f32 v22, v26;
	v20 =	vadd.f32 v23, v26;
	[tilespmem:s26+$0xFFFFFF90] =	vst v15  }
0x168: {  	s31 =	sadd.s32 $0x81, s28;
	[tilespmem:s26+$0xFFFFFFA0] =	vst v13  }
.Ltmp9:
0x169: {  	v16 =	vadd.s32 s31, v11;
	[tilespmem:s26+$0xFFFFFFB0] =	vst v14;
	(pc) =	sbr.rel @p0 .LBB2_13-.Ltmp9, $4  }
0x16a: {  	v14 =	vadd.s32 s31, v9;
	[tilespmem:s26+$0xFFFFFFC0] =	vst v17  }
0x16b: {  	v17 =	vadd.s32 s28, v0;
	[tilespmem:s26+$0xFFFFFFD0] =	vst v18  }
0x16c: {  	v15 =	vadd.s32 s28, v5;
	[tilespmem:s26+$0xFFFFFFE0] =	vst v19  }
0x16d: {  	s30 =	sadd.s32 $0x2, s30;
	s0 =	sadd.s32 $0x1, s29;
	v13 =	vadd.s32 s28, v6;
	[tilespmem:s26+$0xFFFFFFF0] =	vst v20  }
0x16e: {  	_ =	sdelay $0x3  }
0x16f: {  	v18 =	vadd.s32 s28, v7;
	v16 =	vld.idx.msk [tilespmem:v16+s16+$0x0], $0xffff  }
0x170: {  	v19 =	vmov s0;
	v20 =	vadd.s32 s28, v8;
	v14 =	vld.idx.msk [tilespmem:v14+s16+$0x0], $0xffff  }
0x171: {  	v17 =	vld.idx.msk [tilespmem:v17+s16+$0x0], $0xffff;
	v21 =	vadd.s32 s28, v9;
	v19 =	vand.u32 $0x7F, v19  }
0x172: {  	v15 =	vld.idx.msk [tilespmem:v15+s16+$0x0], $0xffff;
	v22 =	vadd.s32 s28, v10;
	v19 =	vor.u32 v12, v19  }
0x173: {  	v13 =	vld.idx.msk [tilespmem:v13+s16+$0x0], $0xffff;
	v23 =	vadd.s32 s28, v11;
	v19 =	vbroadcast v19, $0x0  }
0x174: {  	v18 =	vld.idx.msk [tilespmem:v18+s16+$0x0], $0xffff  }
0x175: {  	v24 =	vadd.s32 s31, v0;
	v20 =	vld.idx.msk [tilespmem:v20+s16+$0x0], $0xffff  }
0x176: {  	v25 =	vadd.s32 s31, v5;
	v21 =	vld.idx.msk [tilespmem:v21+s16+$0x0], $0xffff  }
0x177: {  	v26 =	vmov s29;
	v27 =	vadd.s32 s31, v6;
	v22 =	vld.idx.msk [tilespmem:v22+s16+$0x0], $0xffff  }
0x178: {  	v28 =	vadd.s32 s31, v7;
	v26 =	vand.u32 $0x7E, v26;
	v23 =	vld.idx.msk [tilespmem:v23+s16+$0x0], $0xffff  }
0x179: {  	v53 =	vadd.s32 s31, v8;
	v52 =	vor.u32 v12, v26;
	v19 =	vld.idx.msk [tilespmem:v19+s10+$0x0], $0xffff  }
0x17a: {  	v29 =	vadd.s32 s31, v10;
	v12 =	vbroadcast v52, $0x0;
	v24 =	vld.idx.msk [tilespmem:v24+s16+$0x0], $0xffff  }
0x17b: {  	v25 =	vld.idx.msk [tilespmem:v25+s16+$0x0], $0xffff  }
0x17c: {  	v27 =	vld.idx.msk [tilespmem:v27+s16+$0x0], $0xffff  }
0x17d: {  	v28 =	vld.idx.msk [tilespmem:v28+s16+$0x0], $0xffff  }
0x17e: {  	v26 =	vld.idx.msk [tilespmem:v53+s16+$0x0], $0xffff;
	v16 =	vadd.f32 v16, v19  }
0x17f: {  	s30 =	sadd.s32 $0x100, s26;
	v29 =	vld.idx.msk [tilespmem:v29+s16+$0x0], $0xffff;
	v14 =	vadd.f32 v14, v19  }
0x180: {  	v12 =	vld.idx.msk [tilespmem:v12+s10+$0x0], $0xffff;
	v24 =	vadd.f32 v24, v19;
	[tilespmem:s30+$0x70] =	vst v16  }
0x181: {  	v54 =	vadd.f32 v25, v19;
	[tilespmem:s30+$0x50] =	vst v14  }
0x182: {  	v55 =	vadd.f32 v27, v19;
	[tilespmem:s30+$0x0] =	vst v24  }
0x183: {  	v56 =	vadd.f32 v28, v19;
	[tilespmem:s30+$0x10] =	vst v54  }
0x184: {  	v57 =	vadd.f32 v26, v19;
	[tilespmem:s30+$0x20] =	vst v55  }
0x185: {  	v58 =	vadd.f32 v29, v19;
	[tilespmem:s30+$0x30] =	vst v56  }
0x186: {  	v17 =	vadd.f32 v17, v12;
	[tilespmem:s30+$0x40] =	vst v57  }
0x187: {  	v59 =	vadd.f32 v15, v12;
	[tilespmem:s30+$0x60] =	vst v58  }
0x188: {  	v13 =	vadd.f32 v13, v12;
	[tilespmem:s30+$0xFFFFFF80] =	vst v17  }
0x189: {  	v60 =	vadd.f32 v18, v12;
	[tilespmem:s30+$0xFFFFFF90] =	vst v59  }
0x18a: {  	v61 =	vadd.f32 v20, v12;
	[tilespmem:s30+$0xFFFFFFA0] =	vst v13  }
0x18b: {  	v62 =	vadd.f32 v21, v12;
	[tilespmem:s30+$0xFFFFFFB0] =	vst v60  }
.Ltmp10:
0x18c: {  	s25 =	sshll.u32 s25, $0x12;
	v63 =	vadd.f32 v22, v12;
	[tilespmem:s30+$0xFFFFFFC0] =	vst v61;
	(pc) =	sbr.rel @p1 .LBB2_17-.Ltmp10, $4  }
0x18d: {  	s25 =	sor.u32 s5, s25;
	v12 =	vadd.f32 v23, v12;
	[tilespmem:s30+$0xFFFFFFD0] =	vst v62  }
0x18e: {  	s25 =	sshrl.u32 s25, $0x3;
	[tilespmem:s30+$0xFFFFFFE0] =	vst v63  }
0x18f: {  	s31 =	sadd.s32 s3, s25;
	[tilespmem:s30+$0xFFFFFFF0] =	vst v12  }
0x190: {  	[hbm4b:s31+s13] =	stream.strided.scatter [tilespmem:s20], [sflag:$0x4], $0x2000, s17, s13, $0x38;
	[tilespmem:$0x14880] =	vst v63  }
.Ltmp11:
0x191: {  	s0 =	sshll.u32 s24, $0xA;
	(pc) =	sbr.rel .LBB2_2-.Ltmp11, $4  }
0x192: {  	s0 =	sadd.s32 $0x600, s0  }
0x193: {  	s0 =	sand.u32 $0xE00, s0  }
0x194: {  	s24 =	sadd.s32 $0x1, s24;
	s0 =	sshrl.u32 s0, $0x2  }
0x195: {  	[tilespmem:s14], [sflag:$0x2] =	stream.indirect.gather [hbm4b:s6+s12], $0x80, s0, s12, $0xb8;
	[tilespmem:$0x14880] =	vst v63  }
.LBB2_18:
0x196: {  	_ =	sfence.sel $0x180000  }
0x197: {  	[bflag:$0x0] =	sbarrier.arrive $0xFFFF  }
0x198: {  	_ =	strace $0x90000047  }
0x199: {  	[bflag:$0x2] =	sbarrier.arrive $0xFFFF  }
0x19a: {  	p0 =	sne.s32 s2, $0x0;
	s0 =	rddreg [dreg:$0x3]  }
0x19b: {  	s0 =	sadd.s32 @!p0 $0x100000, s0  }
0x19c: {  	[sflag:s0] =	ssyncadd.tile.s32 @!p0 $0x1;
	_ =	shalt  }
.Lfunc_end2:
_tile_overlayer_lowered:
.L_overlay_start_2:
0x19d: {  	(tag) =	ssettag $0x2  }
0x19e: {  	s0 =	rddreg [dreg:$0x0];
	s2 =	stileid.u32  }
0x19f: {  	s1 =	rddreg [dreg:$0x1];
	p0 =	sne.s32 s2, $0x0  }
0x1a0: {  	s3 =	rddreg [dreg:$0x2];
	[bflag:$0x3] =	sbarrier.arrive $0xFFFF;
	s2 =	simm.s32 @!p0 $0x1C05  }
0x1a1: {  	[timem:s3], [sflag:s2] =	dma.local @!p0 [hbm:s0], s1  }
0x1a2: {  	s0 =	simm.s32 @!p0 $0x5  }
0x1a3: {  	_ =	swait.ge @!p0 [sflag:s0], s1  }
0x1a4: {  	s1 =	ssub.s32 @!p0 $0x0, s1;
	[sflag:s0] =	ssyncset.done @!p0 $0x0  }
0x1a5: {  	[sflag:s0] =	ssyncadd.s32 @!p0 s1  }
0x1a6: {  	[bflag:$0x3] =	sbarrier.arrive $0xFFFF  }
0x1a7: {  	_ =	shalt  }

</sc_bundles>
